<compile_context>
chip_gen: v7x
topology: tpu7x:2x2x1
jax: 0.10.2.dev20260603
libtpu: 0.0.44.dev20260713+nightly
codegen_flags: <defaults>
</compile_context>

<pallas_src>
import jax
import jax.numpy as jnp
from jax import lax
from jax.experimental import pallas as pl
from jax.experimental.pallas import tpu as pltpu
from jax.experimental.pallas import tpu_sc as plsc

B = 64
S = 2048
L = 16
SEG = S // L
NC = 2
NS = 16
ROWS_PER_W = B // (NC * NS)
NTOK = 784
BIG = 1 << 20

_I32 = jnp.int32
_F32 = jnp.float32


def _sc_body(tok_hbm, lut_hbm, out_hbm, tok_v, lut_v, acc_v, sh_v, sem):
    wid = lax.axis_index("s") * NC + lax.axis_index("c")

    copies = [
        pltpu.make_async_copy(lut_hbm, lut_v, sem)
    ] + [
        pltpu.make_async_copy(
            tok_hbm.at[wid * ROWS_PER_W + r], tok_v.at[pl.ds(r * S, S)], sem
        )
        for r in range(ROWS_PER_W)
    ]
    for c_ in copies:
        c_.start()
    for c_ in copies:
        c_.wait()

    iota = lax.broadcasted_iota(_I32, (L,), 0)
    pos0 = iota * SEG
    im1 = jnp.maximum(iota - 1, 0)
    lane0 = iota == 0
    zero = jnp.zeros((L,), _I32)
    one = jnp.full((L,), 1, _I32)
    neg1 = jnp.full((L,), -1, _I32)
    c12 = jnp.full((L,), 12, _I32)
    c100 = jnp.full((L,), 100, _I32)
    c127 = jnp.full((L,), 127, _I32)
    big = jnp.full((L,), BIG, _I32)

    def shift1(vec, fill):
        sh_v[...] = vec
        sh = plsc.load_gather(sh_v, [im1])
        return jnp.where(lane0, fill, sh)

    def init_row(r):
        base = pos0 + r * S
        tok0 = plsc.load_gather(tok_v, [base])
        lut0 = plsc.load_gather(lut_v, [tok0])
        pcs0 = lut0 & 255
        tm0 = lut0 >= 256
        nm0 = pcs0 < 100
        return dict(
            base=base,
            prev_p=jnp.where(tm0, pos0, neg1),
            prev_v=jnp.where(nm0, tok0, neg1),
            prev_np=jnp.where(nm0, pos0, neg1),
            fp=jnp.where(tm0, pos0, big),
            fv=jnp.where(nm0, tok0, neg1),
            cnt=jnp.where(tm0, one, zero),
            first_pcs=pcs0,
            prev_pcs=pcs0,
        )

    rows = [init_row(r) for r in range(ROWS_PER_W)]
    acc_sd2 = zero
    acc_h = zero
    acc_leap = zero

    nstate = 7
    keys = ("prev_p", "prev_v", "prev_np", "fp", "fv", "cnt", "prev_pcs")

    def body(i, carry):
        accs = list(carry[: 3])
        acc_sd2, acc_h, acc_leap = accs
        pos = pos0 + i
        new_rows = []
        for r in range(ROWS_PER_W):
            st = dict(zip(keys, carry[3 + r * nstate: 3 + (r + 1) * nstate]))
            tok = plsc.load_gather(tok_v, [rows[r]["base"] + i])
            lutv = plsc.load_gather(lut_v, [tok])
            pcs = lutv & 255
            tm = lutv >= 256
            nm = pcs < 100
            cnt = st["cnt"] + lax.shift_right_logical(lutv, 8)
            validt = tm & (st["prev_p"] >= 0)
            d = pos - st["prev_p"]
            acc_sd2 = acc_sd2 + jnp.where(validt, d * d, zero)
            fp = jnp.minimum(st["fp"], jnp.where(tm, pos, big))
            prev_p = jnp.where(tm, pos, st["prev_p"])
            validn = nm & (st["prev_v"] >= 0)
            ivl = tok - st["prev_v"]
            leap = validn & (jnp.abs(ivl) > 12)
            acc_leap = acc_leap + jnp.where(leap, one, zero)
            fv = jnp.where((st["fv"] < 0) & nm, tok, st["fv"])
            prev_v = jnp.where(nm, tok, st["prev_v"])
            prev_np = jnp.where(nm, pos, st["prev_np"])
            harsh = jnp.abs(st["prev_pcs"] - pcs) == 6
            acc_h = acc_h + jnp.where(harsh, one, zero)
            new_rows.append((prev_p, prev_v, prev_np, fp, fv, cnt, pcs))
        out = [acc_sd2, acc_h, acc_leap]
        for t in new_rows:
            out.extend(t)
        return tuple(out)

    init = [acc_sd2, acc_h, acc_leap]
    for st in rows:
        init.extend(st[k] for k in keys)
    carry = plsc.parallel_loop(1, SEG, unroll=9, carry=tuple(init))(
        lambda i, c: body(i, c)
    )

    acc_sd2, acc_h, acc_leap = carry[:3]
    acc_n = zero
    acc_sd = zero
    for r in range(ROWS_PER_W):
        st = dict(zip(keys, carry[3 + r * nstate: 3 + (r + 1) * nstate]))
        prev_p, prev_v, prev_np = st["prev_p"], st["prev_v"], st["prev_np"]
        fp, fv, cnt = st["fp"], st["fv"], st["cnt"]
        has_t = fp < big
        acc_n = acc_n + jnp.where(has_t, cnt - one, zero)
        acc_sd = acc_sd + jnp.where(has_t, prev_p - fp, zero)
        pb = shift1(plsc.cummax(prev_p), neg1)
        vb = has_t & (pb >= 0)
        db = fp - pb
        acc_n = acc_n + jnp.where(vb, one, zero)
        acc_sd = acc_sd + jnp.where(vb, db, zero)
        acc_sd2 = acc_sd2 + jnp.where(vb, db * db, zero)
        lastq = jnp.where(prev_np >= 0, prev_np * 128 + prev_v, neg1)
        pq = shift1(plsc.cummax(lastq), neg1)
        vv = (fv >= 0) & (pq >= 0)
        ivb = fv - (pq & c127)
        acc_leap = acc_leap + jnp.where(vv & (jnp.abs(ivb) > 12), one, zero)
        pt = shift1(st["prev_pcs"], c100)
        acc_h = acc_h + jnp.where(jnp.abs(pt - rows[r]["first_pcs"]) == 6,
                                  one, zero)

    acc_v[0] = acc_n
    acc_v[1] = acc_sd
    acc_v[2] = acc_sd2
    acc_v[3] = acc_h
    acc_v[4] = acc_leap
    pltpu.sync_copy(acc_v, out_hbm.at[wid])


_sc_stage = pl.kernel(
    _sc_body,
    out_type=jax.ShapeDtypeStruct((NC * NS, 5, L), _I32),
    mesh=plsc.VectorSubcoreMesh(
        core_axis_name="c", subcore_axis_name="s", num_cores=NC, num_subcores=NS
    ),
    scratch_types=[
        pltpu.VMEM((ROWS_PER_W * S,), _I32),
        pltpu.VMEM((NTOK,), _I32),
        pltpu.VMEM((5, L), _I32),
        pltpu.VMEM((L,), _I32),
        pltpu.SemaphoreType.DMA,
    ],
    compiler_params=pltpu.CompilerParams(needs_layout_passes=False),
)


def _finish_body(p_ref, r_ref, h_ref, v_ref, t_ref):
    x = p_ref[:]
    j = lax.broadcasted_iota(_I32, x.shape, 1)
    z = jnp.zeros_like(x)
    n = jnp.sum(jnp.where(j == 0, x, z))
    sd = jnp.sum(jnp.where(j == 1, x, z))
    sd2 = jnp.sum(jnp.where(j == 2, x, z))
    hh = jnp.sum(jnp.where(j == 3, x, z))
    lp = jnp.sum(jnp.where(j == 4, x, z))
    nf = n.astype(_F32)
    ssd = sd2.astype(_F32) - sd.astype(_F32) * sd.astype(_F32) / nf
    rhythm = jnp.where(
        nf > 0.0, jnp.maximum(ssd, 0.0) / (nf - 1.0) * 0.01, 0.0
    ).astype(_F32)
    harmony = 0.1 * hh.astype(_F32) / float(B * S)
    voice = lp.astype(_F32) / float(B)
    total = rhythm + harmony + 0.5 * voice
    r_ref[0, 0] = rhythm
    h_ref[0, 0] = harmony
    v_ref[0, 0] = voice
    t_ref[0, 0] = total


_finish = pl.pallas_call(
    _finish_body,
    out_shape=[jax.ShapeDtypeStruct((1, 1), _F32)] * 4,
    in_specs=[pl.BlockSpec(memory_space=pltpu.VMEM)],
    out_specs=[pl.BlockSpec(memory_space=pltpu.SMEM)] * 4,
)


@jax.jit
def kernel(generated_tokens):
    t = jnp.arange(NTOK, dtype=jnp.int32)
    lut = jnp.where(t < 128, t % 12, 100) + jnp.where(
        (t >= 256) & (t < 768), 256, 0
    )
    partials = _sc_stage(generated_tokens, lut)
    r, h, v, t = _finish(partials)
    return {
        "rhythm_constraint": r[0, 0],
        "harmony_constraint": h[0, 0],
        "voice_leading_constraint": v[0, 0],
        "total": t[0, 0],
    }

# --- scband reference (transcript-rebuilt; emitter-appended) ---
"""Pipeline reference for scband-musical-constraint-loss-64381559767364 (READ-ONLY COPY).

The authoritative reference and input builder live on the scoring server;
editing this copy changes nothing except your own understanding.
"""

import jax, jax.numpy as jnp
import numpy as np

NOTE_ON_START = 0
NOTE_OFF_START = 128
TIME_SHIFT_START = 256
VELOCITY_START = 768
RHYTHM_W = 1.0
HARMONY_W = 1.0
VOICE_W = 0.5


def setup_inputs(seed: int = 0) -> dict:
    key = jax.random.key(seed)
    tokens = jax.random.randint(key, (64, 2048), 0, 774, dtype=jnp.int32)
    return {"generated_tokens": tokens}


def reference(generated_tokens):
    tokens = generated_tokens
    B, S = tokens.shape
    idx = jnp.arange(S, dtype=jnp.int32)

    # ---- rhythm regularity ----
    time_mask = (tokens >= TIME_SHIFT_START) & (tokens < VELOCITY_START)
    p = jnp.where(time_mask, idx, -1)
    cm = jax.lax.cummax(p, axis=1)
    prev_idx = jnp.concatenate(
        [jnp.full((B, 1), -1, dtype=cm.dtype), cm[:, :-1]], axis=1
    )
    valid = time_mask & (prev_idx >= 0)
    diffs = (idx - prev_idx).astype(jnp.float32)
    n = valid.sum().astype(jnp.float32)
    sum_d = jnp.where(valid, diffs, 0.0).sum()
    mean_d = sum_d / n
    ssd = jnp.where(valid, (diffs - mean_d) ** 2, 0.0).sum()
    # torch.var uses unbiased estimator (ddof=1)
    rhythm = jnp.where(
        n > 0.0, (ssd / (n - 1.0)) * 0.01, jnp.asarray(0.0, dtype=jnp.float32)
    )

    # ---- harmony consistency ----
    # vectorized but mathematically identical to the per-(b,t) loop:
    # penalty += 0.1 for every adjacent note-on pair whose pitch-class interval == 6
    note_on = (tokens >= NOTE_ON_START) & (tokens < NOTE_OFF_START)
    pair = note_on[:, :-1] & note_on[:, 1:]
    n1 = tokens[:, :-1] % 12
    n2 = tokens[:, 1:] % 12
    interval = jnp.abs(n1 - n2)
    harsh = pair & (interval == 6)
    harmony = (0.1 * harsh.sum().astype(jnp.float32)) / float(B * S)

    # ---- voice leading ----
    q = jnp.where(note_on, idx, -1)
    cq = jax.lax.cummax(q, axis=1)
    prev_note_idx = jnp.concatenate(
        [jnp.full((B, 1), -1, dtype=cq.dtype), cq[:, :-1]], axis=1
    )
    valid_note = note_on & (prev_note_idx >= 0)
    prev_vals = jnp.take_along_axis(tokens, jnp.maximum(prev_note_idx, 0), axis=1)
    intervals = (tokens - prev_vals).astype(jnp.float32)
    leap = jnp.where(
        valid_note & (jnp.abs(intervals) > 12), 1.0, 0.0
    ).astype(jnp.float32).sum()
    voice = leap / float(B)

    total = RHYTHM_W * rhythm + HARMONY_W * harmony + VOICE_W * voice
    return {
        "rhythm_constraint": rhythm,
        "harmony_constraint": harmony,
        "voice_leading_constraint": voice,
        "total": total,
    }

if __name__ == "__main__":
    import jax
    _d = setup_inputs()
    print(jax.jit(kernel)(*tuple(_d.values())))

</pallas_src>

<mosaic_0001>
#map = affine_map<(d0, d1) -> (0, 0)>
#map1 = affine_map<(d0, d1) -> (0)>
#map2 = affine_map<(d0, d1) -> (0, 0, 0)>
module attributes {stable_mosaic.version = 14 : i64} {
  func.func @_sc_body(%arg0: i32, %arg1: i32, %arg2: memref<64x2048xi32, #tpu.memory_space<hbm>>, %arg3: memref<784xi32, #tpu.memory_space<hbm>>, %arg4: memref<32x5x16xi32, #tpu.memory_space<hbm>>, %arg5: memref<4096xi32, #tpu.memory_space<vmem>>, %arg6: memref<784xi32, #tpu.memory_space<vmem>>, %arg7: memref<5x16xi32, #tpu.memory_space<vmem>>, %arg8: memref<16xi32, #tpu.memory_space<vmem>>, %arg9: memref<!tpu.dma_semaphore, #tpu.memory_space<semaphore_mem>>) attributes {dimension_semantics = [#tpu.dimension_semantics<core_parallel>, #tpu.dimension_semantics<subcore_parallel>], iteration_bounds = array<i64: 2, 16>, scalar_prefetch = 0 : i64, scratch_operands = 5 : i64, tpu.core_type = #tpu.core_type<sc_vector_subcore>, window_params = [{transform_indices = #map}, {transform_indices = #map1}, {transform_indices = #map2}]} {
    %mul3A = arith.constant 2 : i32
    %mul3A_0 = arith.muli %arg1, %mul3A : i32
    %add3A = arith.addi %mul3A_0, %arg0 : i32
    %mul3A_1 = arith.constant 2 : i32
    %mul3A_2 = arith.muli %add3A, %mul3A_1 : i32
    %add3A_3 = arith.constant 0 : i32
    %add3A_4 = arith.addi %mul3A_2, %add3A_3 : i32
    %mul3A_5 = arith.constant 2 : i32
    %mul3A_6 = arith.muli %add3A, %mul3A_5 : i32
    %add3A_7 = arith.constant 1 : i32
    %add3A_8 = arith.addi %mul3A_6, %add3A_7 : i32
    tpu.enqueue_dma source(%arg3 : memref<784xi32, #tpu.memory_space<hbm>>) target(%arg6 : memref<784xi32, #tpu.memory_space<vmem>>) target_semaphore(%arg9 : memref<!tpu.dma_semaphore, #tpu.memory_space<semaphore_mem>>)
    %dma_start3A = arith.constant 0 : i32
    %dma_start3A_9 = tpu.memref_slice %arg5[%dma_start3A] : memref<4096xi32, #tpu.memory_space<vmem>> -> memref<2048xi32, #tpu.memory_space<vmem>>
    %dma_start3A_10 = arith.constant 0 : i32
    %dma_start3A_11 = tpu.memref_slice %arg2[%add3A_4, %dma_start3A_10] : memref<64x2048xi32, #tpu.memory_space<hbm>> -> memref<1x2048xi32, #tpu.memory_space<hbm>>
    %dma_start3A_12 = tpu.memref_squeeze %dma_start3A_11 : memref<1x2048xi32, #tpu.memory_space<hbm>> -> memref<2048xi32, #tpu.memory_space<hbm>>
    %dma_start3A_13 = arith.constant 0 : i32
    %dma_start3A_14 = tpu.memref_slice %arg5[%dma_start3A_13] : memref<4096xi32, #tpu.memory_space<vmem>> -> memref<2048xi32, #tpu.memory_space<vmem>>
    %dma_start3A_15 = arith.constant 0 : i32
    %dma_start3A_16 = tpu.memref_slice %arg2[%add3A_4, %dma_start3A_15] : memref<64x2048xi32, #tpu.memory_space<hbm>> -> memref<1x2048xi32, #tpu.memory_space<hbm>>
    %dma_start3A_17 = tpu.memref_squeeze %dma_start3A_16 : memref<1x2048xi32, #tpu.memory_space<hbm>> -> memref<2048xi32, #tpu.memory_space<hbm>>
    tpu.enqueue_dma source(%dma_start3A_17 : memref<2048xi32, #tpu.memory_space<hbm>>) target(%dma_start3A_14 : memref<2048xi32, #tpu.memory_space<vmem>>) target_semaphore(%arg9 : memref<!tpu.dma_semaphore, #tpu.memory_space<semaphore_mem>>)
    %dma_start3A_18 = arith.constant 2048 : i32
    %dma_start3A_19 = tpu.memref_slice %arg5[%dma_start3A_18] : memref<4096xi32, #tpu.memory_space<vmem>> -> memref<2048xi32, #tpu.memory_space<vmem>>
    %dma_start3A_20 = arith.constant 0 : i32
    %dma_start3A_21 = tpu.memref_slice %arg2[%add3A_8, %dma_start3A_20] : memref<64x2048xi32, #tpu.memory_space<hbm>> -> memref<1x2048xi32, #tpu.memory_space<hbm>>
    %dma_start3A_22 = tpu.memref_squeeze %dma_start3A_21 : memref<1x2048xi32, #tpu.memory_space<hbm>> -> memref<2048xi32, #tpu.memory_space<hbm>>
    %dma_start3A_23 = arith.constant 2048 : i32
    %dma_start3A_24 = tpu.memref_slice %arg5[%dma_start3A_23] : memref<4096xi32, #tpu.memory_space<vmem>> -> memref<2048xi32, #tpu.memory_space<vmem>>
    %dma_start3A_25 = arith.constant 0 : i32
    %dma_start3A_26 = tpu.memref_slice %arg2[%add3A_8, %dma_start3A_25] : memref<64x2048xi32, #tpu.memory_space<hbm>> -> memref<1x2048xi32, #tpu.memory_space<hbm>>
    %dma_start3A_27 = tpu.memref_squeeze %dma_start3A_26 : memref<1x2048xi32, #tpu.memory_space<hbm>> -> memref<2048xi32, #tpu.memory_space<hbm>>
    tpu.enqueue_dma source(%dma_start3A_27 : memref<2048xi32, #tpu.memory_space<hbm>>) target(%dma_start3A_24 : memref<2048xi32, #tpu.memory_space<vmem>>) target_semaphore(%arg9 : memref<!tpu.dma_semaphore, #tpu.memory_space<semaphore_mem>>)
    tpu.wait_dma2 semaphore(%arg9 : memref<!tpu.dma_semaphore, #tpu.memory_space<semaphore_mem>>) src(%arg3 : memref<784xi32, #tpu.memory_space<hbm>>) dst(%arg6 : memref<784xi32, #tpu.memory_space<vmem>>)
    %dma_wait3A = arith.constant 0 : i32
    %dma_wait3A_28 = tpu.memref_slice %arg5[%dma_wait3A] : memref<4096xi32, #tpu.memory_space<vmem>> -> memref<2048xi32, #tpu.memory_space<vmem>>
    %dma_wait3A_29 = arith.constant 0 : i32
    %dma_wait3A_30 = tpu.memref_slice %arg2[%add3A_4, %dma_wait3A_29] : memref<64x2048xi32, #tpu.memory_space<hbm>> -> memref<1x2048xi32, #tpu.memory_space<hbm>>
    %dma_wait3A_31 = tpu.memref_squeeze %dma_wait3A_30 : memref<1x2048xi32, #tpu.memory_space<hbm>> -> memref<2048xi32, #tpu.memory_space<hbm>>
    %dma_wait3A_32 = arith.constant 0 : i32
    %dma_wait3A_33 = tpu.memref_slice %arg5[%dma_wait3A_32] : memref<4096xi32, #tpu.memory_space<vmem>> -> memref<2048xi32, #tpu.memory_space<vmem>>
    %dma_wait3A_34 = arith.constant 0 : i32
    %dma_wait3A_35 = tpu.memref_slice %arg2[%add3A_4, %dma_wait3A_34] : memref<64x2048xi32, #tpu.memory_space<hbm>> -> memref<1x2048xi32, #tpu.memory_space<hbm>>
    %dma_wait3A_36 = tpu.memref_squeeze %dma_wait3A_35 : memref<1x2048xi32, #tpu.memory_space<hbm>> -> memref<2048xi32, #tpu.memory_space<hbm>>
    tpu.wait_dma2 semaphore(%arg9 : memref<!tpu.dma_semaphore, #tpu.memory_space<semaphore_mem>>) src(%dma_wait3A_36 : memref<2048xi32, #tpu.memory_space<hbm>>) dst(%dma_wait3A_33 : memref<2048xi32, #tpu.memory_space<vmem>>)
    %dma_wait3A_37 = arith.constant 2048 : i32
    %dma_wait3A_38 = tpu.memref_slice %arg5[%dma_wait3A_37] : memref<4096xi32, #tpu.memory_space<vmem>> -> memref<2048xi32, #tpu.memory_space<vmem>>
    %dma_wait3A_39 = arith.constant 0 : i32
    %dma_wait3A_40 = tpu.memref_slice %arg2[%add3A_8, %dma_wait3A_39] : memref<64x2048xi32, #tpu.memory_space<hbm>> -> memref<1x2048xi32, #tpu.memory_space<hbm>>
    %dma_wait3A_41 = tpu.memref_squeeze %dma_wait3A_40 : memref<1x2048xi32, #tpu.memory_space<hbm>> -> memref<2048xi32, #tpu.memory_space<hbm>>
    %dma_wait3A_42 = arith.constant 2048 : i32
    %dma_wait3A_43 = tpu.memref_slice %arg5[%dma_wait3A_42] : memref<4096xi32, #tpu.memory_space<vmem>> -> memref<2048xi32, #tpu.memory_space<vmem>>
    %dma_wait3A_44 = arith.constant 0 : i32
    %dma_wait3A_45 = tpu.memref_slice %arg2[%add3A_8, %dma_wait3A_44] : memref<64x2048xi32, #tpu.memory_space<hbm>> -> memref<1x2048xi32, #tpu.memory_space<hbm>>
    %dma_wait3A_46 = tpu.memref_squeeze %dma_wait3A_45 : memref<1x2048xi32, #tpu.memory_space<hbm>> -> memref<2048xi32, #tpu.memory_space<hbm>>
    tpu.wait_dma2 semaphore(%arg9 : memref<!tpu.dma_semaphore, #tpu.memory_space<semaphore_mem>>) src(%dma_wait3A_46 : memref<2048xi32, #tpu.memory_space<hbm>>) dst(%dma_wait3A_43 : memref<2048xi32, #tpu.memory_space<vmem>>)
    %iota3A = tpu.iota {dimensions = array<i32: 0>} : vector<16xi32>
    %mul3A_47 = arith.constant 128 : i32
    %mul3A_48 = vector.broadcast %mul3A_47 : i32 to vector<16xi32>
    %mul3A_49 = arith.muli %iota3A, %mul3A_48 : vector<16xi32>
    %sub3A = arith.constant 1 : i32
    %sub3A_50 = vector.broadcast %sub3A : i32 to vector<16xi32>
    %sub3A_51 = arith.subi %iota3A, %sub3A_50 : vector<16xi32>
    %max3A = arith.constant 0 : i32
    %max3A_52 = vector.broadcast %max3A : i32 to vector<16xi32>
    %max3A_53 = arith.maxsi %sub3A_51, %max3A_52 : vector<16xi32>
    %eq3A = arith.constant 0 : i32
    %eq3A_54 = vector.broadcast %eq3A : i32 to vector<16xi32>
    %eq3A_55 = arith.cmpi eq, %iota3A, %eq3A_54 : vector<16xi32>
    %broadcast_in_dim3A = arith.constant 0 : i32
    %broadcast_in_dim3A_56 = vector.broadcast %broadcast_in_dim3A : i32 to vector<16xi32>
    %broadcast_in_dim3A_57 = arith.constant 1 : i32
    %broadcast_in_dim3A_58 = vector.broadcast %broadcast_in_dim3A_57 : i32 to vector<16xi32>
    %broadcast_in_dim3A_59 = arith.constant -1 : i32
    %broadcast_in_dim3A_60 = vector.broadcast %broadcast_in_dim3A_59 : i32 to vector<16xi32>
    %broadcast_in_dim3A_61 = arith.constant 12 : i32
    %broadcast_in_dim3A_62 = vector.broadcast %broadcast_in_dim3A_61 : i32 to vector<16xi32>
    %broadcast_in_dim3A_63 = arith.constant 100 : i32
    %broadcast_in_dim3A_64 = vector.broadcast %broadcast_in_dim3A_63 : i32 to vector<16xi32>
    %broadcast_in_dim3A_65 = arith.constant 127 : i32
    %broadcast_in_dim3A_66 = vector.broadcast %broadcast_in_dim3A_65 : i32 to vector<16xi32>
    %broadcast_in_dim3A_67 = arith.constant 1048576 : i32
    %broadcast_in_dim3A_68 = vector.broadcast %broadcast_in_dim3A_67 : i32 to vector<16xi32>
    %add3A_69 = arith.constant 0 : i32
    %add3A_70 = vector.broadcast %add3A_69 : i32 to vector<16xi32>
    %add3A_71 = arith.addi %mul3A_49, %add3A_70 : vector<16xi32>
    %gather3A = tpu.vector_load_idx %arg5[%add3A_71] : memref<4096xi32, #tpu.memory_space<vmem>>[vector<16xi32>], vector<16xi32>,
    %gather3A_72 = tpu.vector_load_idx %arg6[%gather3A] : memref<784xi32, #tpu.memory_space<vmem>>[vector<16xi32>], vector<16xi32>,
    %and3A = arith.constant 255 : i32
    %and3A_73 = vector.broadcast %and3A : i32 to vector<16xi32>
    %and3A_74 = arith.andi %gather3A_72, %and3A_73 : vector<16xi32>
    %ge3A = arith.constant 256 : i32
    %ge3A_75 = vector.broadcast %ge3A : i32 to vector<16xi32>
    %ge3A_76 = arith.cmpi sge, %gather3A_72, %ge3A_75 : vector<16xi32>
    %lt3A = arith.constant 100 : i32
    %lt3A_77 = vector.broadcast %lt3A : i32 to vector<16xi32>
    %lt3A_78 = arith.cmpi slt, %and3A_74, %lt3A_77 : vector<16xi32>
    %select_n3A = arith.select %ge3A_76, %mul3A_49, %broadcast_in_dim3A_60 : vector<16xi1>, vector<16xi32>
    %select_n3A_79 = arith.select %lt3A_78, %gather3A, %broadcast_in_dim3A_60 : vector<16xi1>, vector<16xi32>
    %select_n3A_80 = arith.select %lt3A_78, %mul3A_49, %broadcast_in_dim3A_60 : vector<16xi1>, vector<16xi32>
    %select_n3A_81 = arith.select %ge3A_76, %mul3A_49, %broadcast_in_dim3A_68 : vector<16xi1>, vector<16xi32>
    %select_n3A_82 = arith.select %lt3A_78, %gather3A, %broadcast_in_dim3A_60 : vector<16xi1>, vector<16xi32>
    %select_n3A_83 = arith.select %ge3A_76, %broadcast_in_dim3A_58, %broadcast_in_dim3A_56 : vector<16xi1>, vector<16xi32>
    %add3A_84 = arith.constant 2048 : i32
    %add3A_85 = vector.broadcast %add3A_84 : i32 to vector<16xi32>
    %add3A_86 = arith.addi %mul3A_49, %add3A_85 : vector<16xi32>
    %gather3A_87 = tpu.vector_load_idx %arg5[%add3A_86] : memref<4096xi32, #tpu.memory_space<vmem>>[vector<16xi32>], vector<16xi32>,
    %gather3A_88 = tpu.vector_load_idx %arg6[%gather3A_87] : memref<784xi32, #tpu.memory_space<vmem>>[vector<16xi32>], vector<16xi32>,
    %and3A_89 = arith.constant 255 : i32
    %and3A_90 = vector.broadcast %and3A_89 : i32 to vector<16xi32>
    %and3A_91 = arith.andi %gather3A_88, %and3A_90 : vector<16xi32>
    %ge3A_92 = arith.constant 256 : i32
    %ge3A_93 = vector.broadcast %ge3A_92 : i32 to vector<16xi32>
    %ge3A_94 = arith.cmpi sge, %gather3A_88, %ge3A_93 : vector<16xi32>
    %lt3A_95 = arith.constant 100 : i32
    %lt3A_96 = vector.broadcast %lt3A_95 : i32 to vector<16xi32>
    %lt3A_97 = arith.cmpi slt, %and3A_91, %lt3A_96 : vector<16xi32>
    %select_n3A_98 = arith.select %ge3A_94, %mul3A_49, %broadcast_in_dim3A_60 : vector<16xi1>, vector<16xi32>
    %select_n3A_99 = arith.select %lt3A_97, %gather3A_87, %broadcast_in_dim3A_60 : vector<16xi1>, vector<16xi32>
    %select_n3A_100 = arith.select %lt3A_97, %mul3A_49, %broadcast_in_dim3A_60 : vector<16xi1>, vector<16xi32>
    %select_n3A_101 = arith.select %ge3A_94, %mul3A_49, %broadcast_in_dim3A_68 : vector<16xi1>, vector<16xi32>
    %select_n3A_102 = arith.select %lt3A_97, %gather3A_87, %broadcast_in_dim3A_60 : vector<16xi1>, vector<16xi32>
    %select_n3A_103 = arith.select %ge3A_94, %broadcast_in_dim3A_58, %broadcast_in_dim3A_56 : vector<16xi1>, vector<16xi32>
    %parallel_loop3A = arith.constant 1 : i32
    %parallel_loop3A_104 = arith.constant 128 : i32
    %parallel_loop3A_105 = arith.constant 1 : i32
    %parallel_loop3A_106:17 = scf.for %parallel_loop3A_275 = %parallel_loop3A to %parallel_loop3A_104 step %parallel_loop3A_105 iter_args(%parallel_loop3A_276 = %broadcast_in_dim3A_56, %parallel_loop3A_277 = %broadcast_in_dim3A_56, %parallel_loop3A_278 = %broadcast_in_dim3A_56, %parallel_loop3A_279 = %select_n3A, %parallel_loop3A_280 = %select_n3A_79, %parallel_loop3A_281 = %select_n3A_80, %parallel_loop3A_282 = %select_n3A_81, %parallel_loop3A_283 = %select_n3A_82, %parallel_loop3A_284 = %select_n3A_83, %parallel_loop3A_285 = %and3A_74, %parallel_loop3A_286 = %select_n3A_98, %parallel_loop3A_287 = %select_n3A_99, %parallel_loop3A_288 = %select_n3A_100, %parallel_loop3A_289 = %select_n3A_101, %parallel_loop3A_290 = %select_n3A_102, %parallel_loop3A_291 = %select_n3A_103, %parallel_loop3A_292 = %and3A_91) -> (vector<16xi32>, vector<16xi32>, vector<16xi32>, vector<16xi32>, vector<16xi32>, vector<16xi32>, vector<16xi32>, vector<16xi32>, vector<16xi32>, vector<16xi32>, vector<16xi32>, vector<16xi32>, vector<16xi32>, vector<16xi32>, vector<16xi32>, vector<16xi32>, vector<16xi32>)  : i32 {
      %parallel_loop3A_293 = vector.broadcast %parallel_loop3A_275 : i32 to vector<16xi32>
      %parallel_loop3A_294 = arith.addi %mul3A_49, %parallel_loop3A_293 : vector<16xi32>
      %parallel_loop3A_295 = vector.broadcast %parallel_loop3A_275 : i32 to vector<16xi32>
      %parallel_loop3A_296 = arith.addi %add3A_71, %parallel_loop3A_295 : vector<16xi32>
      %parallel_loop3A_297 = tpu.vector_load_idx %arg5[%parallel_loop3A_296] : memref<4096xi32, #tpu.memory_space<vmem>>[vector<16xi32>], vector<16xi32>,
      %parallel_loop3A_298 = tpu.vector_load_idx %arg6[%parallel_loop3A_297] : memref<784xi32, #tpu.memory_space<vmem>>[vector<16xi32>], vector<16xi32>,
      %parallel_loop3A_299 = arith.constant 255 : i32
      %parallel_loop3A_300 = vector.broadcast %parallel_loop3A_299 : i32 to vector<16xi32>
      %parallel_loop3A_301 = arith.andi %parallel_loop3A_298, %parallel_loop3A_300 : vector<16xi32>
      %parallel_loop3A_302 = arith.constant 256 : i32
      %parallel_loop3A_303 = vector.broadcast %parallel_loop3A_302 : i32 to vector<16xi32>
      %parallel_loop3A_304 = arith.cmpi sge, %parallel_loop3A_298, %parallel_loop3A_303 : vector<16xi32>
      %parallel_loop3A_305 = arith.constant 100 : i32
      %parallel_loop3A_306 = vector.broadcast %parallel_loop3A_305 : i32 to vector<16xi32>
      %parallel_loop3A_307 = arith.cmpi slt, %parallel_loop3A_301, %parallel_loop3A_306 : vector<16xi32>
      %parallel_loop3A_308 = arith.constant 8 : i32
      %parallel_loop3A_309 = vector.broadcast %parallel_loop3A_308 : i32 to vector<16xi32>
      %parallel_loop3A_310 = arith.shrui %parallel_loop3A_298, %parallel_loop3A_309 : vector<16xi32>
      %parallel_loop3A_311 = arith.addi %parallel_loop3A_284, %parallel_loop3A_310 : vector<16xi32>
      %parallel_loop3A_312 = arith.constant 0 : i32
      %parallel_loop3A_313 = vector.broadcast %parallel_loop3A_312 : i32 to vector<16xi32>
      %parallel_loop3A_314 = arith.cmpi sge, %parallel_loop3A_279, %parallel_loop3A_313 : vector<16xi32>
      %parallel_loop3A_315 = arith.andi %parallel_loop3A_304, %parallel_loop3A_314 : vector<16xi1>
      %parallel_loop3A_316 = arith.subi %parallel_loop3A_294, %parallel_loop3A_279 : vector<16xi32>
      %parallel_loop3A_317 = arith.muli %parallel_loop3A_316, %parallel_loop3A_316 : vector<16xi32>
      %parallel_loop3A_318 = arith.select %parallel_loop3A_315, %parallel_loop3A_317, %broadcast_in_dim3A_56 : vector<16xi1>, vector<16xi32>
      %parallel_loop3A_319 = arith.addi %parallel_loop3A_276, %parallel_loop3A_318 : vector<16xi32>
      %parallel_loop3A_320 = arith.select %parallel_loop3A_304, %parallel_loop3A_294, %broadcast_in_dim3A_68 : vector<16xi1>, vector<16xi32>
      %parallel_loop3A_321 = arith.minsi %parallel_loop3A_282, %parallel_loop3A_320 : vector<16xi32>
      %parallel_loop3A_322 = arith.select %parallel_loop3A_304, %parallel_loop3A_294, %parallel_loop3A_279 : vector<16xi1>, vector<16xi32>
      %parallel_loop3A_323 = arith.constant 0 : i32
      %parallel_loop3A_324 = vector.broadcast %parallel_loop3A_323 : i32 to vector<16xi32>
      %parallel_loop3A_325 = arith.cmpi sge, %parallel_loop3A_280, %parallel_loop3A_324 : vector<16xi32>
      %parallel_loop3A_326 = arith.andi %parallel_loop3A_307, %parallel_loop3A_325 : vector<16xi1>
      %parallel_loop3A_327 = arith.subi %parallel_loop3A_297, %parallel_loop3A_280 : vector<16xi32>
      %parallel_loop3A_328 = math.absi %parallel_loop3A_327 : vector<16xi32>
      %parallel_loop3A_329 = arith.constant 12 : i32
      %parallel_loop3A_330 = vector.broadcast %parallel_loop3A_329 : i32 to vector<16xi32>
      %parallel_loop3A_331 = arith.cmpi sgt, %parallel_loop3A_328, %parallel_loop3A_330 : vector<16xi32>
      %parallel_loop3A_332 = arith.andi %parallel_loop3A_326, %parallel_loop3A_331 : vector<16xi1>
      %parallel_loop3A_333 = arith.select %parallel_loop3A_332, %broadcast_in_dim3A_58, %broadcast_in_dim3A_56 : vector<16xi1>, vector<16xi32>
      %parallel_loop3A_334 = arith.addi %parallel_loop3A_278, %parallel_loop3A_333 : vector<16xi32>
      %parallel_loop3A_335 = arith.constant 0 : i32
      %parallel_loop3A_336 = vector.broadcast %parallel_loop3A_335 : i32 to vector<16xi32>
      %parallel_loop3A_337 = arith.cmpi slt, %parallel_loop3A_283, %parallel_loop3A_336 : vector<16xi32>
      %parallel_loop3A_338 = arith.andi %parallel_loop3A_337, %parallel_loop3A_307 : vector<16xi1>
      %parallel_loop3A_339 = arith.select %parallel_loop3A_338, %parallel_loop3A_297, %parallel_loop3A_283 : vector<16xi1>, vector<16xi32>
      %parallel_loop3A_340 = arith.select %parallel_loop3A_307, %parallel_loop3A_297, %parallel_loop3A_280 : vector<16xi1>, vector<16xi32>
      %parallel_loop3A_341 = arith.select %parallel_loop3A_307, %parallel_loop3A_294, %parallel_loop3A_281 : vector<16xi1>, vector<16xi32>
      %parallel_loop3A_342 = arith.subi %parallel_loop3A_285, %parallel_loop3A_301 : vector<16xi32>
      %parallel_loop3A_343 = math.absi %parallel_loop3A_342 : vector<16xi32>
      %parallel_loop3A_344 = arith.constant 6 : i32
      %parallel_loop3A_345 = vector.broadcast %parallel_loop3A_344 : i32 to vector<16xi32>
      %parallel_loop3A_346 = arith.cmpi eq, %parallel_loop3A_343, %parallel_loop3A_345 : vector<16xi32>
      %parallel_loop3A_347 = arith.select %parallel_loop3A_346, %broadcast_in_dim3A_58, %broadcast_in_dim3A_56 : vector<16xi1>, vector<16xi32>
      %parallel_loop3A_348 = arith.addi %parallel_loop3A_277, %parallel_loop3A_347 : vector<16xi32>
      %parallel_loop3A_349 = vector.broadcast %parallel_loop3A_275 : i32 to vector<16xi32>
      %parallel_loop3A_350 = arith.addi %add3A_86, %parallel_loop3A_349 : vector<16xi32>
      %parallel_loop3A_351 = tpu.vector_load_idx %arg5[%parallel_loop3A_350] : memref<4096xi32, #tpu.memory_space<vmem>>[vector<16xi32>], vector<16xi32>,
      %parallel_loop3A_352 = tpu.vector_load_idx %arg6[%parallel_loop3A_351] : memref<784xi32, #tpu.memory_space<vmem>>[vector<16xi32>], vector<16xi32>,
      %parallel_loop3A_353 = arith.constant 255 : i32
      %parallel_loop3A_354 = vector.broadcast %parallel_loop3A_353 : i32 to vector<16xi32>
      %parallel_loop3A_355 = arith.andi %parallel_loop3A_352, %parallel_loop3A_354 : vector<16xi32>
      %parallel_loop3A_356 = arith.constant 256 : i32
      %parallel_loop3A_357 = vector.broadcast %parallel_loop3A_356 : i32 to vector<16xi32>
      %parallel_loop3A_358 = arith.cmpi sge, %parallel_loop3A_352, %parallel_loop3A_357 : vector<16xi32>
      %parallel_loop3A_359 = arith.constant 100 : i32
      %parallel_loop3A_360 = vector.broadcast %parallel_loop3A_359 : i32 to vector<16xi32>
      %parallel_loop3A_361 = arith.cmpi slt, %parallel_loop3A_355, %parallel_loop3A_360 : vector<16xi32>
      %parallel_loop3A_362 = arith.constant 8 : i32
      %parallel_loop3A_363 = vector.broadcast %parallel_loop3A_362 : i32 to vector<16xi32>
      %parallel_loop3A_364 = arith.shrui %parallel_loop3A_352, %parallel_loop3A_363 : vector<16xi32>
      %parallel_loop3A_365 = arith.addi %parallel_loop3A_291, %parallel_loop3A_364 : vector<16xi32>
      %parallel_loop3A_366 = arith.constant 0 : i32
      %parallel_loop3A_367 = vector.broadcast %parallel_loop3A_366 : i32 to vector<16xi32>
      %parallel_loop3A_368 = arith.cmpi sge, %parallel_loop3A_286, %parallel_loop3A_367 : vector<16xi32>
      %parallel_loop3A_369 = arith.andi %parallel_loop3A_358, %parallel_loop3A_368 : vector<16xi1>
      %parallel_loop3A_370 = arith.subi %parallel_loop3A_294, %parallel_loop3A_286 : vector<16xi32>
      %parallel_loop3A_371 = arith.muli %parallel_loop3A_370, %parallel_loop3A_370 : vector<16xi32>
      %parallel_loop3A_372 = arith.select %parallel_loop3A_369, %parallel_loop3A_371, %broadcast_in_dim3A_56 : vector<16xi1>, vector<16xi32>
      %parallel_loop3A_373 = arith.addi %parallel_loop3A_319, %parallel_loop3A_372 : vector<16xi32>
      %parallel_loop3A_374 = arith.select %parallel_loop3A_358, %parallel_loop3A_294, %broadcast_in_dim3A_68 : vector<16xi1>, vector<16xi32>
      %parallel_loop3A_375 = arith.minsi %parallel_loop3A_289, %parallel_loop3A_374 : vector<16xi32>
      %parallel_loop3A_376 = arith.select %parallel_loop3A_358, %parallel_loop3A_294, %parallel_loop3A_286 : vector<16xi1>, vector<16xi32>
      %parallel_loop3A_377 = arith.constant 0 : i32
      %parallel_loop3A_378 = vector.broadcast %parallel_loop3A_377 : i32 to vector<16xi32>
      %parallel_loop3A_379 = arith.cmpi sge, %parallel_loop3A_287, %parallel_loop3A_378 : vector<16xi32>
      %parallel_loop3A_380 = arith.andi %parallel_loop3A_361, %parallel_loop3A_379 : vector<16xi1>
      %parallel_loop3A_381 = arith.subi %parallel_loop3A_351, %parallel_loop3A_287 : vector<16xi32>
      %parallel_loop3A_382 = math.absi %parallel_loop3A_381 : vector<16xi32>
      %parallel_loop3A_383 = arith.constant 12 : i32
      %parallel_loop3A_384 = vector.broadcast %parallel_loop3A_383 : i32 to vector<16xi32>
      %parallel_loop3A_385 = arith.cmpi sgt, %parallel_loop3A_382, %parallel_loop3A_384 : vector<16xi32>
      %parallel_loop3A_386 = arith.andi %parallel_loop3A_380, %parallel_loop3A_385 : vector<16xi1>
      %parallel_loop3A_387 = arith.select %parallel_loop3A_386, %broadcast_in_dim3A_58, %broadcast_in_dim3A_56 : vector<16xi1>, vector<16xi32>
      %parallel_loop3A_388 = arith.addi %parallel_loop3A_334, %parallel_loop3A_387 : vector<16xi32>
      %parallel_loop3A_389 = arith.constant 0 : i32
      %parallel_loop3A_390 = vector.broadcast %parallel_loop3A_389 : i32 to vector<16xi32>
      %parallel_loop3A_391 = arith.cmpi slt, %parallel_loop3A_290, %parallel_loop3A_390 : vector<16xi32>
      %parallel_loop3A_392 = arith.andi %parallel_loop3A_391, %parallel_loop3A_361 : vector<16xi1>
      %parallel_loop3A_393 = arith.select %parallel_loop3A_392, %parallel_loop3A_351, %parallel_loop3A_290 : vector<16xi1>, vector<16xi32>
      %parallel_loop3A_394 = arith.select %parallel_loop3A_361, %parallel_loop3A_351, %parallel_loop3A_287 : vector<16xi1>, vector<16xi32>
      %parallel_loop3A_395 = arith.select %parallel_loop3A_361, %parallel_loop3A_294, %parallel_loop3A_288 : vector<16xi1>, vector<16xi32>
      %parallel_loop3A_396 = arith.subi %parallel_loop3A_292, %parallel_loop3A_355 : vector<16xi32>
      %parallel_loop3A_397 = math.absi %parallel_loop3A_396 : vector<16xi32>
      %parallel_loop3A_398 = arith.constant 6 : i32
      %parallel_loop3A_399 = vector.broadcast %parallel_loop3A_398 : i32 to vector<16xi32>
      %parallel_loop3A_400 = arith.cmpi eq, %parallel_loop3A_397, %parallel_loop3A_399 : vector<16xi32>
      %parallel_loop3A_401 = arith.select %parallel_loop3A_400, %broadcast_in_dim3A_58, %broadcast_in_dim3A_56 : vector<16xi1>, vector<16xi32>
      %parallel_loop3A_402 = arith.addi %parallel_loop3A_348, %parallel_loop3A_401 : vector<16xi32>
      scf.yield %parallel_loop3A_373, %parallel_loop3A_402, %parallel_loop3A_388, %parallel_loop3A_322, %parallel_loop3A_340, %parallel_loop3A_341, %parallel_loop3A_321, %parallel_loop3A_339, %parallel_loop3A_311, %parallel_loop3A_301, %parallel_loop3A_376, %parallel_loop3A_394, %parallel_loop3A_395, %parallel_loop3A_375, %parallel_loop3A_393, %parallel_loop3A_365, %parallel_loop3A_355 : vector<16xi32>, vector<16xi32>, vector<16xi32>, vector<16xi32>, vector<16xi32>, vector<16xi32>, vector<16xi32>, vector<16xi32>, vector<16xi32>, vector<16xi32>, vector<16xi32>, vector<16xi32>, vector<16xi32>, vector<16xi32>, vector<16xi32>, vector<16xi32>, vector<16xi32>
    } {sc.loop_unroll_factor = 9 : i64, sc.parallel_access}
    %lt3A_107 = arith.cmpi slt, %parallel_loop3A_106#6, %broadcast_in_dim3A_68 : vector<16xi32>
    %sub3A_108 = arith.subi %parallel_loop3A_106#8, %broadcast_in_dim3A_58 : vector<16xi32>
    %select_n3A_109 = arith.select %lt3A_107, %sub3A_108, %broadcast_in_dim3A_56 : vector<16xi1>, vector<16xi32>
    %add3A_110 = arith.addi %broadcast_in_dim3A_56, %select_n3A_109 : vector<16xi32>
    %sub3A_111 = arith.subi %parallel_loop3A_106#3, %parallel_loop3A_106#6 : vector<16xi32>
    %select_n3A_112 = arith.select %lt3A_107, %sub3A_111, %broadcast_in_dim3A_56 : vector<16xi1>, vector<16xi32>
    %add3A_113 = arith.addi %broadcast_in_dim3A_56, %select_n3A_112 : vector<16xi32>
    %broadcast_in_dim3A_114 = arith.constant true
    %broadcast_in_dim3A_115 = vector.broadcast %broadcast_in_dim3A_114 : i1 to vector<16xi1>
    %masked_cummax3A = arith.constant -2147483648 : i32
    %masked_cummax3A_116 = vector.broadcast %masked_cummax3A : i32 to vector<16xi32>
    %masked_cummax3A_117 = arith.xori %parallel_loop3A_106#3, %masked_cummax3A_116 : vector<16xi32>
    %masked_cummax3A_118 = tpu.scan <max>, %masked_cummax3A_117 masked %broadcast_in_dim3A_115 : vector<16xi32>, vector<16xi1> -> vector<16xi32>
    %masked_cummax3A_119 = arith.xori %masked_cummax3A_118, %masked_cummax3A_116 : vector<16xi32>
    %swap3A = arith.constant 0 : index
    %swap3A_120 = tpu.vector_load %arg8[%swap3A] {strides = array<i32>} : memref<16xi32, #tpu.memory_space<vmem>>, vector<16xi32>,
    tpu.vector_store %arg8[%swap3A], %masked_cummax3A_119 {strides = array<i32>} : memref<16xi32, #tpu.memory_space<vmem>>, vector<16xi32>,
    %gather3A_121 = tpu.vector_load_idx %arg8[%max3A_53] : memref<16xi32, #tpu.memory_space<vmem>>[vector<16xi32>], vector<16xi32>,
    %select_n3A_122 = arith.select %eq3A_55, %broadcast_in_dim3A_60, %gather3A_121 : vector<16xi1>, vector<16xi32>
    %ge3A_123 = arith.constant 0 : i32
    %ge3A_124 = vector.broadcast %ge3A_123 : i32 to vector<16xi32>
    %ge3A_125 = arith.cmpi sge, %select_n3A_122, %ge3A_124 : vector<16xi32>
    %and3A_126 = arith.andi %lt3A_107, %ge3A_125 : vector<16xi1>
    %sub3A_127 = arith.subi %parallel_loop3A_106#6, %select_n3A_122 : vector<16xi32>
    %select_n3A_128 = arith.select %and3A_126, %broadcast_in_dim3A_58, %broadcast_in_dim3A_56 : vector<16xi1>, vector<16xi32>
    %add3A_129 = arith.addi %add3A_110, %select_n3A_128 : vector<16xi32>
    %select_n3A_130 = arith.select %and3A_126, %sub3A_127, %broadcast_in_dim3A_56 : vector<16xi1>, vector<16xi32>
    %add3A_131 = arith.addi %add3A_113, %select_n3A_130 : vector<16xi32>
    %mul3A_132 = arith.muli %sub3A_127, %sub3A_127 : vector<16xi32>
    %select_n3A_133 = arith.select %and3A_126, %mul3A_132, %broadcast_in_dim3A_56 : vector<16xi1>, vector<16xi32>
    %add3A_134 = arith.addi %parallel_loop3A_106#0, %select_n3A_133 : vector<16xi32>
    %ge3A_135 = arith.constant 0 : i32
    %ge3A_136 = vector.broadcast %ge3A_135 : i32 to vector<16xi32>
    %ge3A_137 = arith.cmpi sge, %parallel_loop3A_106#5, %ge3A_136 : vector<16xi32>
    %mul3A_138 = arith.constant 128 : i32
    %mul3A_139 = vector.broadcast %mul3A_138 : i32 to vector<16xi32>
    %mul3A_140 = arith.muli %parallel_loop3A_106#5, %mul3A_139 : vector<16xi32>
    %add3A_141 = arith.addi %mul3A_140, %parallel_loop3A_106#4 : vector<16xi32>
    %select_n3A_142 = arith.select %ge3A_137, %add3A_141, %broadcast_in_dim3A_60 : vector<16xi1>, vector<16xi32>
    %broadcast_in_dim3A_143 = arith.constant true
    %broadcast_in_dim3A_144 = vector.broadcast %broadcast_in_dim3A_143 : i1 to vector<16xi1>
    %masked_cummax3A_145 = arith.constant -2147483648 : i32
    %masked_cummax3A_146 = vector.broadcast %masked_cummax3A_145 : i32 to vector<16xi32>
    %masked_cummax3A_147 = arith.xori %select_n3A_142, %masked_cummax3A_146 : vector<16xi32>
    %masked_cummax3A_148 = tpu.scan <max>, %masked_cummax3A_147 masked %broadcast_in_dim3A_144 : vector<16xi32>, vector<16xi1> -> vector<16xi32>
    %masked_cummax3A_149 = arith.xori %masked_cummax3A_148, %masked_cummax3A_146 : vector<16xi32>
    %swap3A_150 = arith.constant 0 : index
    %swap3A_151 = tpu.vector_load %arg8[%swap3A_150] {strides = array<i32>} : memref<16xi32, #tpu.memory_space<vmem>>, vector<16xi32>,
    tpu.vector_store %arg8[%swap3A_150], %masked_cummax3A_149 {strides = array<i32>} : memref<16xi32, #tpu.memory_space<vmem>>, vector<16xi32>,
    %gather3A_152 = tpu.vector_load_idx %arg8[%max3A_53] : memref<16xi32, #tpu.memory_space<vmem>>[vector<16xi32>], vector<16xi32>,
    %select_n3A_153 = arith.select %eq3A_55, %broadcast_in_dim3A_60, %gather3A_152 : vector<16xi1>, vector<16xi32>
    %ge3A_154 = arith.constant 0 : i32
    %ge3A_155 = vector.broadcast %ge3A_154 : i32 to vector<16xi32>
    %ge3A_156 = arith.cmpi sge, %parallel_loop3A_106#7, %ge3A_155 : vector<16xi32>
    %ge3A_157 = arith.constant 0 : i32
    %ge3A_158 = vector.broadcast %ge3A_157 : i32 to vector<16xi32>
    %ge3A_159 = arith.cmpi sge, %select_n3A_153, %ge3A_158 : vector<16xi32>
    %and3A_160 = arith.andi %ge3A_156, %ge3A_159 : vector<16xi1>
    %and3A_161 = arith.andi %select_n3A_153, %broadcast_in_dim3A_66 : vector<16xi32>
    %sub3A_162 = arith.subi %parallel_loop3A_106#7, %and3A_161 : vector<16xi32>
    %abs3A = math.absi %sub3A_162 : vector<16xi32>
    %gt3A = arith.constant 12 : i32
    %gt3A_163 = vector.broadcast %gt3A : i32 to vector<16xi32>
    %gt3A_164 = arith.cmpi sgt, %abs3A, %gt3A_163 : vector<16xi32>
    %and3A_165 = arith.andi %and3A_160, %gt3A_164 : vector<16xi1>
    %select_n3A_166 = arith.select %and3A_165, %broadcast_in_dim3A_58, %broadcast_in_dim3A_56 : vector<16xi1>, vector<16xi32>
    %add3A_167 = arith.addi %parallel_loop3A_106#2, %select_n3A_166 : vector<16xi32>
    %swap3A_168 = arith.constant 0 : index
    %swap3A_169 = tpu.vector_load %arg8[%swap3A_168] {strides = array<i32>} : memref<16xi32, #tpu.memory_space<vmem>>, vector<16xi32>,
    tpu.vector_store %arg8[%swap3A_168], %parallel_loop3A_106#9 {strides = array<i32>} : memref<16xi32, #tpu.memory_space<vmem>>, vector<16xi32>,
    %gather3A_170 = tpu.vector_load_idx %arg8[%max3A_53] : memref<16xi32, #tpu.memory_space<vmem>>[vector<16xi32>], vector<16xi32>,
    %select_n3A_171 = arith.select %eq3A_55, %broadcast_in_dim3A_64, %gather3A_170 : vector<16xi1>, vector<16xi32>
    %sub3A_172 = arith.subi %select_n3A_171, %and3A_74 : vector<16xi32>
    %abs3A_173 = math.absi %sub3A_172 : vector<16xi32>
    %eq3A_174 = arith.constant 6 : i32
    %eq3A_175 = vector.broadcast %eq3A_174 : i32 to vector<16xi32>
    %eq3A_176 = arith.cmpi eq, %abs3A_173, %eq3A_175 : vector<16xi32>
    %select_n3A_177 = arith.select %eq3A_176, %broadcast_in_dim3A_58, %broadcast_in_dim3A_56 : vector<16xi1>, vector<16xi32>
    %add3A_178 = arith.addi %parallel_loop3A_106#1, %select_n3A_177 : vector<16xi32>
    %lt3A_179 = arith.cmpi slt, %parallel_loop3A_106#13, %broadcast_in_dim3A_68 : vector<16xi32>
    %sub3A_180 = arith.subi %parallel_loop3A_106#15, %broadcast_in_dim3A_58 : vector<16xi32>
    %select_n3A_181 = arith.select %lt3A_179, %sub3A_180, %broadcast_in_dim3A_56 : vector<16xi1>, vector<16xi32>
    %add3A_182 = arith.addi %add3A_129, %select_n3A_181 : vector<16xi32>
    %sub3A_183 = arith.subi %parallel_loop3A_106#10, %parallel_loop3A_106#13 : vector<16xi32>
    %select_n3A_184 = arith.select %lt3A_179, %sub3A_183, %broadcast_in_dim3A_56 : vector<16xi1>, vector<16xi32>
    %add3A_185 = arith.addi %add3A_131, %select_n3A_184 : vector<16xi32>
    %broadcast_in_dim3A_186 = arith.constant true
    %broadcast_in_dim3A_187 = vector.broadcast %broadcast_in_dim3A_186 : i1 to vector<16xi1>
    %masked_cummax3A_188 = arith.constant -2147483648 : i32
    %masked_cummax3A_189 = vector.broadcast %masked_cummax3A_188 : i32 to vector<16xi32>
    %masked_cummax3A_190 = arith.xori %parallel_loop3A_106#10, %masked_cummax3A_189 : vector<16xi32>
    %masked_cummax3A_191 = tpu.scan <max>, %masked_cummax3A_190 masked %broadcast_in_dim3A_187 : vector<16xi32>, vector<16xi1> -> vector<16xi32>
    %masked_cummax3A_192 = arith.xori %masked_cummax3A_191, %masked_cummax3A_189 : vector<16xi32>
    %swap3A_193 = arith.constant 0 : index
    %swap3A_194 = tpu.vector_load %arg8[%swap3A_193] {strides = array<i32>} : memref<16xi32, #tpu.memory_space<vmem>>, vector<16xi32>,
    tpu.vector_store %arg8[%swap3A_193], %masked_cummax3A_192 {strides = array<i32>} : memref<16xi32, #tpu.memory_space<vmem>>, vector<16xi32>,
    %gather3A_195 = tpu.vector_load_idx %arg8[%max3A_53] : memref<16xi32, #tpu.memory_space<vmem>>[vector<16xi32>], vector<16xi32>,
    %select_n3A_196 = arith.select %eq3A_55, %broadcast_in_dim3A_60, %gather3A_195 : vector<16xi1>, vector<16xi32>
    %ge3A_197 = arith.constant 0 : i32
    %ge3A_198 = vector.broadcast %ge3A_197 : i32 to vector<16xi32>
    %ge3A_199 = arith.cmpi sge, %select_n3A_196, %ge3A_198 : vector<16xi32>
    %and3A_200 = arith.andi %lt3A_179, %ge3A_199 : vector<16xi1>
    %sub3A_201 = arith.subi %parallel_loop3A_106#13, %select_n3A_196 : vector<16xi32>
    %select_n3A_202 = arith.select %and3A_200, %broadcast_in_dim3A_58, %broadcast_in_dim3A_56 : vector<16xi1>, vector<16xi32>
    %add3A_203 = arith.addi %add3A_182, %select_n3A_202 : vector<16xi32>
    %select_n3A_204 = arith.select %and3A_200, %sub3A_201, %broadcast_in_dim3A_56 : vector<16xi1>, vector<16xi32>
    %add3A_205 = arith.addi %add3A_185, %select_n3A_204 : vector<16xi32>
    %mul3A_206 = arith.muli %sub3A_201, %sub3A_201 : vector<16xi32>
    %select_n3A_207 = arith.select %and3A_200, %mul3A_206, %broadcast_in_dim3A_56 : vector<16xi1>, vector<16xi32>
    %add3A_208 = arith.addi %add3A_134, %select_n3A_207 : vector<16xi32>
    %ge3A_209 = arith.constant 0 : i32
    %ge3A_210 = vector.broadcast %ge3A_209 : i32 to vector<16xi32>
    %ge3A_211 = arith.cmpi sge, %parallel_loop3A_106#12, %ge3A_210 : vector<16xi32>
    %mul3A_212 = arith.constant 128 : i32
    %mul3A_213 = vector.broadcast %mul3A_212 : i32 to vector<16xi32>
    %mul3A_214 = arith.muli %parallel_loop3A_106#12, %mul3A_213 : vector<16xi32>
    %add3A_215 = arith.addi %mul3A_214, %parallel_loop3A_106#11 : vector<16xi32>
    %select_n3A_216 = arith.select %ge3A_211, %add3A_215, %broadcast_in_dim3A_60 : vector<16xi1>, vector<16xi32>
    %broadcast_in_dim3A_217 = arith.constant true
    %broadcast_in_dim3A_218 = vector.broadcast %broadcast_in_dim3A_217 : i1 to vector<16xi1>
    %masked_cummax3A_219 = arith.constant -2147483648 : i32
    %masked_cummax3A_220 = vector.broadcast %masked_cummax3A_219 : i32 to vector<16xi32>
    %masked_cummax3A_221 = arith.xori %select_n3A_216, %masked_cummax3A_220 : vector<16xi32>
    %masked_cummax3A_222 = tpu.scan <max>, %masked_cummax3A_221 masked %broadcast_in_dim3A_218 : vector<16xi32>, vector<16xi1> -> vector<16xi32>
    %masked_cummax3A_223 = arith.xori %masked_cummax3A_222, %masked_cummax3A_220 : vector<16xi32>
    %swap3A_224 = arith.constant 0 : index
    %swap3A_225 = tpu.vector_load %arg8[%swap3A_224] {strides = array<i32>} : memref<16xi32, #tpu.memory_space<vmem>>, vector<16xi32>,
    tpu.vector_store %arg8[%swap3A_224], %masked_cummax3A_223 {strides = array<i32>} : memref<16xi32, #tpu.memory_space<vmem>>, vector<16xi32>,
    %gather3A_226 = tpu.vector_load_idx %arg8[%max3A_53] : memref<16xi32, #tpu.memory_space<vmem>>[vector<16xi32>], vector<16xi32>,
    %select_n3A_227 = arith.select %eq3A_55, %broadcast_in_dim3A_60, %gather3A_226 : vector<16xi1>, vector<16xi32>
    %ge3A_228 = arith.constant 0 : i32
    %ge3A_229 = vector.broadcast %ge3A_228 : i32 to vector<16xi32>
    %ge3A_230 = arith.cmpi sge, %parallel_loop3A_106#14, %ge3A_229 : vector<16xi32>
    %ge3A_231 = arith.constant 0 : i32
    %ge3A_232 = vector.broadcast %ge3A_231 : i32 to vector<16xi32>
    %ge3A_233 = arith.cmpi sge, %select_n3A_227, %ge3A_232 : vector<16xi32>
    %and3A_234 = arith.andi %ge3A_230, %ge3A_233 : vector<16xi1>
    %and3A_235 = arith.andi %select_n3A_227, %broadcast_in_dim3A_66 : vector<16xi32>
    %sub3A_236 = arith.subi %parallel_loop3A_106#14, %and3A_235 : vector<16xi32>
    %abs3A_237 = math.absi %sub3A_236 : vector<16xi32>
    %gt3A_238 = arith.constant 12 : i32
    %gt3A_239 = vector.broadcast %gt3A_238 : i32 to vector<16xi32>
    %gt3A_240 = arith.cmpi sgt, %abs3A_237, %gt3A_239 : vector<16xi32>
    %and3A_241 = arith.andi %and3A_234, %gt3A_240 : vector<16xi1>
    %select_n3A_242 = arith.select %and3A_241, %broadcast_in_dim3A_58, %broadcast_in_dim3A_56 : vector<16xi1>, vector<16xi32>
    %add3A_243 = arith.addi %add3A_167, %select_n3A_242 : vector<16xi32>
    %swap3A_244 = arith.constant 0 : index
    %swap3A_245 = tpu.vector_load %arg8[%swap3A_244] {strides = array<i32>} : memref<16xi32, #tpu.memory_space<vmem>>, vector<16xi32>,
    tpu.vector_store %arg8[%swap3A_244], %parallel_loop3A_106#16 {strides = array<i32>} : memref<16xi32, #tpu.memory_space<vmem>>, vector<16xi32>,
    %gather3A_246 = tpu.vector_load_idx %arg8[%max3A_53] : memref<16xi32, #tpu.memory_space<vmem>>[vector<16xi32>], vector<16xi32>,
    %select_n3A_247 = arith.select %eq3A_55, %broadcast_in_dim3A_64, %gather3A_246 : vector<16xi1>, vector<16xi32>
    %sub3A_248 = arith.subi %select_n3A_247, %and3A_91 : vector<16xi32>
    %abs3A_249 = math.absi %sub3A_248 : vector<16xi32>
    %eq3A_250 = arith.constant 6 : i32
    %eq3A_251 = vector.broadcast %eq3A_250 : i32 to vector<16xi32>
    %eq3A_252 = arith.cmpi eq, %abs3A_249, %eq3A_251 : vector<16xi32>
    %select_n3A_253 = arith.select %eq3A_252, %broadcast_in_dim3A_58, %broadcast_in_dim3A_56 : vector<16xi1>, vector<16xi32>
    %add3A_254 = arith.addi %add3A_178, %select_n3A_253 : vector<16xi32>
    %swap3A_255 = arith.constant 0 : i32
    %swap3A_256 = arith.index_cast %swap3A_255 : i32 to index
    %swap3A_257 = arith.constant 0 : index
    %swap3A_258 = tpu.vector_load %arg7[%swap3A_256, %swap3A_257] {strides = array<i32>} : memref<5x16xi32, #tpu.memory_space<vmem>>, vector<16xi32>,
    tpu.vector_store %arg7[%swap3A_256, %swap3A_257], %add3A_203 {strides = array<i32>} : memref<5x16xi32, #tpu.memory_space<vmem>>, vector<16xi32>,
    %swap3A_259 = arith.constant 1 : i32
    %swap3A_260 = arith.index_cast %swap3A_259 : i32 to index
    %swap3A_261 = arith.constant 0 : index
    %swap3A_262 = tpu.vector_load %arg7[%swap3A_260, %swap3A_261] {strides = array<i32>} : memref<5x16xi32, #tpu.memory_space<vmem>>, vector<16xi32>,
    tpu.vector_store %arg7[%swap3A_260, %swap3A_261], %add3A_205 {strides = array<i32>} : memref<5x16xi32, #tpu.memory_space<vmem>>, vector<16xi32>,
    %swap3A_263 = arith.constant 2 : i32
    %swap3A_264 = arith.index_cast %swap3A_263 : i32 to index
    %swap3A_265 = arith.constant 0 : index
    %swap3A_266 = tpu.vector_load %arg7[%swap3A_264, %swap3A_265] {strides = array<i32>} : memref<5x16xi32, #tpu.memory_space<vmem>>, vector<16xi32>,
    tpu.vector_store %arg7[%swap3A_264, %swap3A_265], %add3A_208 {strides = array<i32>} : memref<5x16xi32, #tpu.memory_space<vmem>>, vector<16xi32>,
    %swap3A_267 = arith.constant 3 : i32
    %swap3A_268 = arith.index_cast %swap3A_267 : i32 to index
    %swap3A_269 = arith.constant 0 : index
    %swap3A_270 = tpu.vector_load %arg7[%swap3A_268, %swap3A_269] {strides = array<i32>} : memref<5x16xi32, #tpu.memory_space<vmem>>, vector<16xi32>,
    tpu.vector_store %arg7[%swap3A_268, %swap3A_269], %add3A_254 {strides = array<i32>} : memref<5x16xi32, #tpu.memory_space<vmem>>, vector<16xi32>,
    %swap3A_271 = arith.constant 4 : i32
    %swap3A_272 = arith.index_cast %swap3A_271 : i32 to index
    %swap3A_273 = arith.constant 0 : index
    %swap3A_274 = tpu.vector_load %arg7[%swap3A_272, %swap3A_273] {strides = array<i32>} : memref<5x16xi32, #tpu.memory_space<vmem>>, vector<16xi32>,
    tpu.vector_store %arg7[%swap3A_272, %swap3A_273], %add3A_243 {strides = array<i32>} : memref<5x16xi32, #tpu.memory_space<vmem>>, vector<16xi32>,
    "tpu.region"() ({
      %run_scoped3A = tpu.sem_alloc : memref<!tpu.dma_semaphore, #tpu.memory_space<semaphore_mem>>
      %dma_start3A_275 = arith.constant 0 : i32
      %dma_start3A_276 = arith.constant 0 : i32
      %dma_start3A_277 = tpu.memref_slice %arg4[%add3A, %dma_start3A_275, %dma_start3A_276] : memref<32x5x16xi32, #tpu.memory_space<hbm>> -> memref<1x5x16xi32, #tpu.memory_space<hbm>>
      %dma_start3A_278 = tpu.memref_squeeze %dma_start3A_277 : memref<1x5x16xi32, #tpu.memory_space<hbm>> -> memref<5x16xi32, #tpu.memory_space<hbm>>
      %dma_start3A_279 = arith.constant 0 : i32
      %dma_start3A_280 = arith.constant 0 : i32
      %dma_start3A_281 = tpu.memref_slice %arg4[%add3A, %dma_start3A_279, %dma_start3A_280] : memref<32x5x16xi32, #tpu.memory_space<hbm>> -> memref<1x5x16xi32, #tpu.memory_space<hbm>>
      %dma_start3A_282 = tpu.memref_squeeze %dma_start3A_281 : memref<1x5x16xi32, #tpu.memory_space<hbm>> -> memref<5x16xi32, #tpu.memory_space<hbm>>
      tpu.enqueue_dma source(%arg7 : memref<5x16xi32, #tpu.memory_space<vmem>>) target(%dma_start3A_282 : memref<5x16xi32, #tpu.memory_space<hbm>>) target_semaphore(%run_scoped3A : memref<!tpu.dma_semaphore, #tpu.memory_space<semaphore_mem>>)
      %dma_wait3A_283 = arith.constant 0 : i32
      %dma_wait3A_284 = arith.constant 0 : i32
      %dma_wait3A_285 = tpu.memref_slice %arg4[%add3A, %dma_wait3A_283, %dma_wait3A_284] : memref<32x5x16xi32, #tpu.memory_space<hbm>> -> memref<1x5x16xi32, #tpu.memory_space<hbm>>
      %dma_wait3A_286 = tpu.memref_squeeze %dma_wait3A_285 : memref<1x5x16xi32, #tpu.memory_space<hbm>> -> memref<5x16xi32, #tpu.memory_space<hbm>>
      %dma_wait3A_287 = arith.constant 0 : i32
      %dma_wait3A_288 = arith.constant 0 : i32
      %dma_wait3A_289 = tpu.memref_slice %arg4[%add3A, %dma_wait3A_287, %dma_wait3A_288] : memref<32x5x16xi32, #tpu.memory_space<hbm>> -> memref<1x5x16xi32, #tpu.memory_space<hbm>>
      %dma_wait3A_290 = tpu.memref_squeeze %dma_wait3A_289 : memref<1x5x16xi32, #tpu.memory_space<hbm>> -> memref<5x16xi32, #tpu.memory_space<hbm>>
      tpu.wait_dma2 semaphore(%run_scoped3A : memref<!tpu.dma_semaphore, #tpu.memory_space<semaphore_mem>>) src(%arg7 : memref<5x16xi32, #tpu.memory_space<vmem>>) dst(%dma_wait3A_290 : memref<5x16xi32, #tpu.memory_space<hbm>>)
      tpu.yield
    }) : () -> ()
    return
  }
}

module attributes {stable_mosaic.version = 14 : i64} {
  func.func @_finish_body(%arg0: memref<32x5x16xi32, #tpu.memory_space<vmem>>, %arg1: memref<1x1xf32, #tpu.memory_space<smem>>, %arg2: memref<1x1xf32, #tpu.memory_space<smem>>, %arg3: memref<1x1xf32, #tpu.memory_space<smem>>, %arg4: memref<1x1xf32, #tpu.memory_space<smem>>) attributes {dimension_semantics = [], scalar_prefetch = 0 : i64, scratch_operands = 0 : i64, tpu.core_type = #tpu.core_type<tc>} {
    %get3A = arith.constant 0 : index
    %get3A_0 = arith.constant 0 : index
    %get3A_1 = arith.constant 0 : index
    %get3A_2 = vector.load %arg0[%get3A, %get3A_0, %get3A_1] : memref<32x5x16xi32, #tpu.memory_space<vmem>>, vector<32x5x16xi32>
    %iota3A = tpu.iota {dimensions = array<i32: 1>} : vector<32x5x16xi32>
    %broadcast_in_dim3A = arith.constant 0 : i32
    %broadcast_in_dim3A_3 = vector.broadcast %broadcast_in_dim3A : i32 to vector<32x5x16xi32>
    %eq3A = arith.constant 0 : i32
    %eq3A_4 = vector.broadcast %eq3A : i32 to vector<32x5x16xi32>
    %eq3A_5 = arith.cmpi eq, %iota3A, %eq3A_4 : vector<32x5x16xi32>
    %select_n3A = arith.select %eq3A_5, %get3A_2, %broadcast_in_dim3A_3 : vector<32x5x16xi1>, vector<32x5x16xi32>
    %reduce_sum3A = vector.shape_cast %select_n3A : vector<32x5x16xi32> to vector<1x32x5x16xi32>
    %reduce_sum3A_6 = arith.constant dense<0> : vector<1xi32>
    %reduce_sum3A_7 = vector.multi_reduction <add>, %reduce_sum3A, %reduce_sum3A_6 [1, 2, 3] : vector<1x32x5x16xi32> to vector<1xi32>
    %reduce_sum3A_8 = vector.shape_cast %reduce_sum3A_7 : vector<1xi32> to vector<1x1x1x1xi32>
    %reduce_sum3A_9 = vector.extract %reduce_sum3A_8[0, 0, 0, 0] : i32 from vector<1x1x1x1xi32>
    %eq3A_10 = arith.constant 1 : i32
    %eq3A_11 = vector.broadcast %eq3A_10 : i32 to vector<32x5x16xi32>
    %eq3A_12 = arith.cmpi eq, %iota3A, %eq3A_11 : vector<32x5x16xi32>
    %select_n3A_13 = arith.select %eq3A_12, %get3A_2, %broadcast_in_dim3A_3 : vector<32x5x16xi1>, vector<32x5x16xi32>
    %reduce_sum3A_14 = vector.shape_cast %select_n3A_13 : vector<32x5x16xi32> to vector<1x32x5x16xi32>
    %reduce_sum3A_15 = arith.constant dense<0> : vector<1xi32>
    %reduce_sum3A_16 = vector.multi_reduction <add>, %reduce_sum3A_14, %reduce_sum3A_15 [1, 2, 3] : vector<1x32x5x16xi32> to vector<1xi32>
    %reduce_sum3A_17 = vector.shape_cast %reduce_sum3A_16 : vector<1xi32> to vector<1x1x1x1xi32>
    %reduce_sum3A_18 = vector.extract %reduce_sum3A_17[0, 0, 0, 0] : i32 from vector<1x1x1x1xi32>
    %eq3A_19 = arith.constant 2 : i32
    %eq3A_20 = vector.broadcast %eq3A_19 : i32 to vector<32x5x16xi32>
    %eq3A_21 = arith.cmpi eq, %iota3A, %eq3A_20 : vector<32x5x16xi32>
    %select_n3A_22 = arith.select %eq3A_21, %get3A_2, %broadcast_in_dim3A_3 : vector<32x5x16xi1>, vector<32x5x16xi32>
    %reduce_sum3A_23 = vector.shape_cast %select_n3A_22 : vector<32x5x16xi32> to vector<1x32x5x16xi32>
    %reduce_sum3A_24 = arith.constant dense<0> : vector<1xi32>
    %reduce_sum3A_25 = vector.multi_reduction <add>, %reduce_sum3A_23, %reduce_sum3A_24 [1, 2, 3] : vector<1x32x5x16xi32> to vector<1xi32>
    %reduce_sum3A_26 = vector.shape_cast %reduce_sum3A_25 : vector<1xi32> to vector<1x1x1x1xi32>
    %reduce_sum3A_27 = vector.extract %reduce_sum3A_26[0, 0, 0, 0] : i32 from vector<1x1x1x1xi32>
    %eq3A_28 = arith.constant 3 : i32
    %eq3A_29 = vector.broadcast %eq3A_28 : i32 to vector<32x5x16xi32>
    %eq3A_30 = arith.cmpi eq, %iota3A, %eq3A_29 : vector<32x5x16xi32>
    %select_n3A_31 = arith.select %eq3A_30, %get3A_2, %broadcast_in_dim3A_3 : vector<32x5x16xi1>, vector<32x5x16xi32>
    %reduce_sum3A_32 = vector.shape_cast %select_n3A_31 : vector<32x5x16xi32> to vector<1x32x5x16xi32>
    %reduce_sum3A_33 = arith.constant dense<0> : vector<1xi32>
    %reduce_sum3A_34 = vector.multi_reduction <add>, %reduce_sum3A_32, %reduce_sum3A_33 [1, 2, 3] : vector<1x32x5x16xi32> to vector<1xi32>
    %reduce_sum3A_35 = vector.shape_cast %reduce_sum3A_34 : vector<1xi32> to vector<1x1x1x1xi32>
    %reduce_sum3A_36 = vector.extract %reduce_sum3A_35[0, 0, 0, 0] : i32 from vector<1x1x1x1xi32>
    %eq3A_37 = arith.constant 4 : i32
    %eq3A_38 = vector.broadcast %eq3A_37 : i32 to vector<32x5x16xi32>
    %eq3A_39 = arith.cmpi eq, %iota3A, %eq3A_38 : vector<32x5x16xi32>
    %select_n3A_40 = arith.select %eq3A_39, %get3A_2, %broadcast_in_dim3A_3 : vector<32x5x16xi1>, vector<32x5x16xi32>
    %reduce_sum3A_41 = vector.shape_cast %select_n3A_40 : vector<32x5x16xi32> to vector<1x32x5x16xi32>
    %reduce_sum3A_42 = arith.constant dense<0> : vector<1xi32>
    %reduce_sum3A_43 = vector.multi_reduction <add>, %reduce_sum3A_41, %reduce_sum3A_42 [1, 2, 3] : vector<1x32x5x16xi32> to vector<1xi32>
    %reduce_sum3A_44 = vector.shape_cast %reduce_sum3A_43 : vector<1xi32> to vector<1x1x1x1xi32>
    %reduce_sum3A_45 = vector.extract %reduce_sum3A_44[0, 0, 0, 0] : i32 from vector<1x1x1x1xi32>
    %convert_element_type3A = arith.sitofp %reduce_sum3A_9 : i32 to f32
    %convert_element_type3A_46 = arith.sitofp %reduce_sum3A_27 : i32 to f32
    %convert_element_type3A_47 = arith.sitofp %reduce_sum3A_18 : i32 to f32
    %convert_element_type3A_48 = arith.sitofp %reduce_sum3A_18 : i32 to f32
    %mul3A = arith.mulf %convert_element_type3A_47, %convert_element_type3A_48 : f32
    %div3A = arith.divf %mul3A, %convert_element_type3A : f32
    %sub3A = arith.subf %convert_element_type3A_46, %div3A : f32
    %gt3A = arith.constant 0.000000e+00 : f32
    %gt3A_49 = arith.cmpf ogt, %convert_element_type3A, %gt3A : f32
    %max3A = arith.constant 0.000000e+00 : f32
    %max3A_50 = arith.maximumf %sub3A, %max3A : f32
    %sub3A_51 = arith.constant 1.000000e+00 : f32
    %sub3A_52 = arith.subf %convert_element_type3A, %sub3A_51 : f32
    %div3A_53 = arith.divf %max3A_50, %sub3A_52 : f32
    %mul3A_54 = arith.constant 0.00999999977 : f32
    %mul3A_55 = arith.mulf %div3A_53, %mul3A_54 : f32
    %jit3A = arith.constant 0.000000e+00 : f32
    %select_n3A_56 = arith.select %gt3A_49, %mul3A_55, %jit3A : f32
    %convert_element_type3A_57 = arith.sitofp %reduce_sum3A_36 : i32 to f32
    %mul3A_58 = arith.constant 1.000000e-01 : f32
    %mul3A_59 = arith.mulf %mul3A_58, %convert_element_type3A_57 : f32
    %div3A_60 = arith.constant 1.310720e+05 : f32
    %div3A_61 = arith.divf %mul3A_59, %div3A_60 : f32
    %convert_element_type3A_62 = arith.sitofp %reduce_sum3A_45 : i32 to f32
    %div3A_63 = arith.constant 6.400000e+01 : f32
    %div3A_64 = arith.divf %convert_element_type3A_62, %div3A_63 : f32
    %add3A = arith.addf %select_n3A_56, %div3A_61 : f32
    %mul3A_65 = arith.constant 5.000000e-01 : f32
    %mul3A_66 = arith.mulf %mul3A_65, %div3A_64 : f32
    %add3A_67 = arith.addf %add3A, %mul3A_66 : f32
    %swap3A = arith.constant 0 : index
    %swap3A_68 = arith.constant 0 : index
    %swap3A_69 = memref.load %arg1[%swap3A, %swap3A_68] : memref<1x1xf32, #tpu.memory_space<smem>>
    memref.store %select_n3A_56, %arg1[%swap3A, %swap3A_68] : memref<1x1xf32, #tpu.memory_space<smem>>
    %swap3A_70 = arith.constant 0 : index
    %swap3A_71 = arith.constant 0 : index
    %swap3A_72 = memref.load %arg2[%swap3A_70, %swap3A_71] : memref<1x1xf32, #tpu.memory_space<smem>>
    memref.store %div3A_61, %arg2[%swap3A_70, %swap3A_71] : memref<1x1xf32, #tpu.memory_space<smem>>
    %swap3A_73 = arith.constant 0 : index
    %swap3A_74 = arith.constant 0 : index
    %swap3A_75 = memref.load %arg3[%swap3A_73, %swap3A_74] : memref<1x1xf32, #tpu.memory_space<smem>>
    memref.store %div3A_64, %arg3[%swap3A_73, %swap3A_74] : memref<1x1xf32, #tpu.memory_space<smem>>
    %swap3A_76 = arith.constant 0 : index
    %swap3A_77 = arith.constant 0 : index
    %swap3A_78 = memref.load %arg4[%swap3A_76, %swap3A_77] : memref<1x1xf32, #tpu.memory_space<smem>>
    memref.store %add3A_67, %arg4[%swap3A_76, %swap3A_77] : memref<1x1xf32, #tpu.memory_space<smem>>
    return
  }
}

</mosaic_0001>

<sc_bundles>
// kernel: kernel.4.cloned.1.call-start
scs
__scs_entry_jumppad:
0x0: {  	(pc) =	sbr.rel $0x88, $3  }
0x1: {  	(tag) =	ssettag $0x0;
	lr =	simm.s32 $0x1  }
0x2: {  	[smem:$0x3FA0] =	sst lr;
	_ =	strace $0xD0000000  }
0x3: {  	_ = 	snop  }
0x4: {  	_ = 	snop  }
0x5: {  	_ = 	snop  }
0x6: {  	_ = 	snop  }
0x7: {  	_ = 	snop  }
__scs_overlays_trampoline_lowered:
0x8: {  	[smem:$0x3FAF] =	sst s0  }
0x9: {  	[smem:$0x3FB0] =	sst s1  }
0xa: {  	[smem:$0x3FB1] =	sst s2  }
0xb: {  	[smem:$0x3FB2] =	sst s3  }
0xc: {  	[smem:$0x3FB3] =	sst s4  }
0xd: {  	[smem:$0x3FB4] =	sst s5  }
0xe: {  	[smem:$0x3FB5] =	sst s6  }
0xf: {  	[smem:$0x3FB6] =	sst s7  }
0x10: {  	[smem:$0x3FB7] =	sst s8  }
0x11: {  	[smem:$0x3FB8] =	sst s9;
	s0 =	simm.s32 @!p0 $0x0  }
0x12: {  	s1 =	sld [smem:$0x3F9E];
	s0 =	simm.s32 @p0 $0x1  }
0x13: {  	[smem:$0x3FB9] =	sst s0;
	s0 =	simm.s32 @!p1 $0x0  }
0x14: {  	s2 =	sld [smem:$0x3F9D];
	s0 =	simm.s32 @p1 $0x1  }
0x15: {  	[smem:$0x3FBA] =	sst s0;
	s0 =	simm.s32 @!p2 $0x0  }
0x16: {  	s3 =	sld [smem:$0x3FDB];
	s0 =	simm.s32 @p2 $0x1  }
0x17: {  	s4 =	simm.s32 $0x1BF5;
	[smem:$0x3FBC] =	sst s0  }
0x18: {  	s0 =	sld [smem:$0x3F9F];
	_ =	swait.ge [sflag:s4], $0x0  }
0x19: {  	s7 =	sld [smem:$0x3FA0]  }
0x1a: {  	s8 =	sadd.s32 $0xFFFFE003, lr  }
0x1b: {  	s9 =	sadd.s32 $0xFFFFFEF7, lr;
	s5 =	simm.s32 $0xFFFFFFFF;
	p2 =	slt.u32 s8, $0xFFFFF086  }
0x1c: {  	p1 =	slt.u32 s9, $0xF7A;
	s5 =	simm.s32 @!p2 $0x0  }
0x1d: {  	s5 =	simm.s32 @p1 $0x1;
	p0 =	seq.s32 s7, s2  }
0x1e: {  	s7 =	smul.u32 @!p0 $0xF7A, s2;
	p2 =	seq.s32 @!p0 s5, $0x0  }
0x1f: {  	s9 =	smul.u32 $0xF7A, s1;
	s8 =	simm.s32 @!p0 $0x1BF5;
	p2 =	por !p2, p0  }
0x20: {  	[sflag:s8] =	ssyncset.s32 @!p0 $0xFFFFF086;
	s6 =	sadd.s32 @!p0 s3, s7;
	s7 =	simm.s32 @!p0 $0x108  }
0x21: {  	s3 =	sadd.s32 s3, s9;
	s6 =	sadd.s32 @!p0 $0x88, s6;
	s7 =	simm.s32 @p2 $0x1082  }
0x22: {  	[simem:s7], [sflag:s8] =	dma.local @!p0 [hbm:s6], $0xF7A  }
0x23: {  	s9 =	sor.u32 $0xD0000000, s2;
	s6 =	simm.s32 $0x108;
	_ =	swait.ge @!p0 [sflag:s8], $0x0  }
0x24: {  	s3 =	sadd.s32 $0x88, s3;
	s6 =	simm.s32 @!p1 $0x1082;
	[sflag:s4] =	ssyncset.s32 $0xFFFFF086  }
0x25: {  	[simem:s6], [sflag:s4] =	dma.local [hbm:s3], $0xF7A  }
0x26: {  	[smem:$0x3FA0] =	sst s1;
	(tag) =	ssettag s2;
	_ =	strace s9  }
0x27: {  	s1 =	sld [smem:$0x3FB0]  }
0x28: {  	s2 =	sld [smem:$0x3FB1]  }
0x29: {  	s4 =	sld [smem:$0x3FB3]  }
0x2a: {  	p0 =	seq.s32 s5, $0x0;
	s5 =	sld [smem:$0x3FB4]  }
0x2b: {  	s6 =	sld [smem:$0x3FB5]  }
0x2c: {  	s7 =	sld [smem:$0x3FB6]  }
0x2d: {  	s3 =	simm.s32 $0x108;
	s8 =	sld [smem:$0x3FB7]  }
0x2e: {  	s3 =	simm.s32 @!p0 $0x1082;
	s9 =	sld [smem:$0x3FB8]  }
0x2f: {  	lr =	sadd.s32 s0, s3;
	s0 =	sld [smem:$0x3FAF]  }
0x30: {  	s3 =	sld [smem:$0x3FB2]  }
0x31: {  	[smem:$0x3FBB] =	sst s10  }
0x32: {  	s10 =	sld [smem:$0x3FB9];
	_ =	sdelay $0x3  }
0x33: {  	p0 =	seq.s32 s10, $0x1;
	s10 =	sld [smem:$0x3FBB];
	_ =	sdelay $0x3  }
0x34: {  	[smem:$0x3FBB] =	sst s10  }
0x35: {  	s10 =	sld [smem:$0x3FBA];
	_ =	sdelay $0x3  }
0x36: {  	p1 =	seq.s32 s10, $0x1;
	s10 =	sld [smem:$0x3FBB];
	_ =	sdelay $0x3  }
0x37: {  	[smem:$0x3FBB] =	sst s10  }
0x38: {  	s10 =	sld [smem:$0x3FBC]  }
0x39: {  	_ = 	snop;
	(pc) =	sbr.ind lr, $3  }
0x3a: {  	_ = 	snop  }
0x3b: {  	_ = 	snop  }
0x3c: {  	p2 =	seq.s32 s10, $0x1;
	s10 =	sld [smem:$0x3FBB]  }
0x3d: {  	_ =	shalt  }
0x3e: {  	_ =	shalt  }
0x3f: {  	_ =	shalt  }
0x40: {  	_ =	shalt  }
0x41: {  	_ =	shalt  }
0x42: {  	_ =	shalt  }
0x43: {  	_ =	shalt  }
0x44: {  	_ =	shalt  }
0x45: {  	_ =	shalt  }
0x46: {  	_ =	shalt  }
0x47: {  	_ =	shalt  }
0x48: {  	_ =	shalt  }
0x49: {  	_ =	shalt  }
0x4a: {  	_ =	shalt  }
0x4b: {  	_ =	shalt  }
0x4c: {  	_ =	shalt  }
0x4d: {  	_ =	shalt  }
0x4e: {  	_ =	shalt  }
0x4f: {  	_ =	shalt  }
0x50: {  	_ =	shalt  }
0x51: {  	_ =	shalt  }
0x52: {  	_ =	shalt  }
0x53: {  	_ =	shalt  }
0x54: {  	_ =	shalt  }
0x55: {  	_ =	shalt  }
0x56: {  	_ =	shalt  }
0x57: {  	_ =	shalt  }
0x58: {  	_ =	shalt  }
0x59: {  	_ =	shalt  }
0x5a: {  	_ =	shalt  }
0x5b: {  	_ =	shalt  }
0x5c: {  	_ =	shalt  }
0x5d: {  	_ =	shalt  }
0x5e: {  	_ =	shalt  }
0x5f: {  	_ =	shalt  }
0x60: {  	_ =	shalt  }
0x61: {  	_ =	shalt  }
0x62: {  	_ =	shalt  }
0x63: {  	_ =	shalt  }
0x64: {  	_ =	shalt  }
0x65: {  	_ =	shalt  }
0x66: {  	_ =	shalt  }
0x67: {  	_ =	shalt  }
0x68: {  	_ =	shalt  }
0x69: {  	_ =	shalt  }
0x6a: {  	_ =	shalt  }
0x6b: {  	_ =	shalt  }
0x6c: {  	_ =	shalt  }
0x6d: {  	_ =	shalt  }
0x6e: {  	_ =	shalt  }
0x6f: {  	_ =	shalt  }
0x70: {  	_ =	shalt  }
0x71: {  	_ =	shalt  }
0x72: {  	_ =	shalt  }
0x73: {  	_ =	shalt  }
0x74: {  	_ =	shalt  }
0x75: {  	_ =	shalt  }
0x76: {  	_ =	shalt  }
0x77: {  	_ =	shalt  }
0x78: {  	_ =	shalt  }
0x79: {  	_ =	shalt  }
0x7a: {  	_ =	shalt  }
0x7b: {  	_ =	shalt  }
0x7c: {  	_ =	shalt  }
0x7d: {  	_ =	shalt  }
0x7e: {  	_ =	shalt  }
0x7f: {  	_ =	shalt  }
0x80: {  	_ =	shalt  }
0x81: {  	_ =	shalt  }
0x82: {  	_ =	shalt  }
0x83: {  	_ =	shalt  }
0x84: {  	_ =	shalt  }
0x85: {  	_ =	shalt  }
0x86: {  	_ =	shalt  }
0x87: {  	_ =	shalt  }
.Lfunc_end0:
.L_simem_size_0:
called_computation_lowered:
.L_overlay_start_0:
0x88: {  	s2 =	sld [smem:$0x3FD9]  }
0x89: {  	s3 =	sld [smem:$0x3FFE];
	_ =	sdelay $0x1  }
0x8a: {  	s1 =	srdreg.scid  }
0x8b: {  	s0 =	sand.u32 $0x1, s1  }
0x8c: {  	s17 =	sshll.u32 s0, $0xA;
	s2 =	sadd.s32 s3, s2  }
0x8d: {  	s2 =	sadd.s32 s2, s17  }
0x8e: {  	[smem:$0x3FC7] =	sst s2  }
0x8f: {  	_ = 	snop  }
0x90: {  	s2 =	sld [smem:$0x3FC9];
	(tm) =	ssettm $0x1  }
0x91: {  	s18 =	sld [smem:$0x3FFB];
	_ =	sdelay $0x3  }
0x92: {  	_ =	strace s18  }
0x93: {  	s3 =	sld [smem:$0x3FFC];
	_ =	sdelay $0x3  }
0x94: {  	_ =	strace s3  }
0x95: {  	s3 =	sld [smem:$0x3FFD];
	_ =	sdelay $0x3  }
0x96: {  	_ =	strace s3  }
0x97: {  	_ =	strace $0x8FFFFFFF  }
0x98: {  	s19 =	sld [smem:$0x3FDB];
	_ =	sdelay $0x1  }
0x99: {  	s4 =	simm.s32 $_scs_section_size  }
0x9a: {  	s5 =	simm.s32 $_size__tile_overlayer_lowered;
	s6 =	simm.s32 $_tile_overlayer_lowered  }
0x9b: {  	s22 =	simm.s32 $0x1BFF;
	s21 =	sshll.u32 s6, $0x1;
	s3 =	sadd.s32 s4, s19  }
0x9c: {  	s7 =	simm.s32 $0x0;
	s20 =	sshll.u32 s5, $0x1;
	s5 =	sadd.s32 s21, s3  }
0x9d: {  	[timem:s7], [sflag:s22] =	dma.local [hbm:s5], s20  }
0x9e: {  	_ =	swait.ge [sflag:s22], s20  }
0x9f: {  	s4 =	ssub.s32 $0x0, s20;
	[sflag:s22] =	ssyncset.done $0x0  }
0xa0: {  	[sflag:s22] =	ssyncadd.s32 s4;
	_ =	sdelay $0x1  }
0xa1: {  	s23 =	simm.s32 $0x1B8B  }
0xa2: {  	_ =	swait.ge [sflag:s23], $0x1  }
0xa3: {  	[sflag:s23] =	ssyncset.done $0x0  }
0xa4: {  	s25 =	simm.s32 $0x1B8E;
	s24 =	sld [smem:$0x3FFE];
	[sflag:s23] =	ssyncadd.s32 $0xFFFFFFFF  }
0xa5: {  	s26 =	simm.s32 $execute0_lowered;
	[smem:$0x3FD2] =	sst s25  }
0xa6: {  	s5 =	sshll.u32 s26, $0x1;
	_ =	strace $0x80000046;
	[dreg:$0x1] =	wrdreg $0xFFFFFFFF  }
0xa7: {  	s28 =	simm.s32 $_size_execute0_lowered;
	s3 =	sadd.s32 s3, s5;
	[dreg:$0x0] =	wrdreg $0x0  }
0xa8: {  	s5 =	sshll.u32 s28, $0x1;
	[dreg:$0x2] =	wrdreg s3  }
0xa9: {  	[dreg:$0x3] =	wrdreg s5  }
0xaa: {  	[dreg:$0x4] =	wrdreg $0xC0  }
0xab: {  	_ =	task [dreg:s7], $0x5FFFF  }
0xac: {  	[dreg:$0x1] =	wrdreg $0xFFFFFFFF  }
0xad: {  	[dreg:$0x0] =	wrdreg $0x60  }
0xae: {  	[dreg:$0x2] =	wrdreg s2  }
0xaf: {  	[dreg:$0x3] =	wrdreg s24  }
0xb0: {  	[dreg:$0x4] =	wrdreg $0x9  }
0xb1: {  	_ =	task.clear_ibuf [dreg:s7], $0x5FFFF;
	_ =	strace $0x90000046  }
0xb2: {  	s29 =	simm.s32 $0x9;
	_ =	strace $0x80000048  }
0xb3: {  	_ =	swait.ge [sflag:s29], $0x1  }
0xb4: {  	[sflag:s29] =	ssyncadd.s32 $0xFFFFFFFF  }
0xb5: {  	_ =	strace $0x90000048  }
0xb6: {  	_ =	sfence  }
0xb7: {  	s30 =	sld [smem:$0x0];
	_ =	sdelay $0x2  }
0xb8: {  	s31 =	sshll.u32 s1, $0xD;
	s1 =	sshrl.u32 s1, $0x2  }
0xb9: {  	s3 =	sand.u32 $0x4000, s31;
	s1 =	sadd.s32 s1, s30  }
0xba: {  	s0 =	sor.u32 s3, s0;
	s1 =	sshll.u32 s1, $0x11  }
0xbb: {  	s0 =	sor.u32 s1, s0  }
0xbc: {  	s0 =	sadd.s32 $0x8F2B, s0  }
0xbd: {  	[sflag:s0] =	ssyncadd.remote.s32 $0x1  }
0xbe: {  	_ =	sfence.sel $0xFFFF  }
0xbf: {  	[dreg:$0x0] =	wrdreg $0xFFFFFFFF;
	(pc) =	sbr.abs _section_cstart, $3  }
0xc0: {  	[dreg:$0x1] =	wrdreg $0xFFFFFFFF  }
0xc1: {  	_ =	task.clear_ibuf [dreg:s7], $0x2FFFF;
	_ =	strace $0x9FFFFFFF  }
0xc2: {  	(tm) =	ssettm $0x7FFFFFFF  }
0xc3: {  	_ =	shalt  }
tec
execute0_lowered:
.L_overlay_start_1:
0x0: {  	(tag) =	ssettag $0x1  }
0x1: {  	s4 =	rddreg [dreg:$0x0]  }
0x2: {  	s1 =	srdreg.scid;
	s0 =	stileid.u32  }
0x3: {  	s5 =	rddreg [dreg:$0x1];
	s2 =	simm.s32 $0x0;
	s10 =	simm.s32 $0x400  }
0x4: {  	v0 =	vimm.s32 $0xEDCBA987;
	s11 =	simm.s32 $0x800;
	s12 =	simm.s32 $0x1780;
	s13 =	simm.s32 $0x1380  }
0x5: {  	v1 =	vimm.s32 $0x65432100;
	s14 =	simm.s32 $0x2;
	s6 =	sand.u32 $0x1, s1;
	s1 =	rddreg [dreg:$0x2];
	v2 =	vunpack.c.l.s4.s8 v0  }
0x6: {  	s15 =	simm.s32 $0x0;
	s3 =	sshll.u32 s0, $0x1;
	[smem:$0x7FF] =	sst s2;
	v3 =	vunpack.c.l.s4.s8 v1  }
0x7: {  	s8 =	sshll.u32 s0, $0xA;
	v0 =	vlaneseq.u32;
	s7 =	sor.u32 s6, s3;
	_ =	strace $0x80000047;
	v2 =	vunpack.c.0.s8.s32 v2  }
0x8: {  	s3 =	sadd.s32 $0x800, s5;
	s6 =	ssub.s32 $0x2, s6;
	v0 =	vmul.u32 $0x80, v0;
	s9 =	sshll.u32 s7, $0x5;
	v4 =	vunpack.c.0.s8.s32 v3  }
0x9: {  	s7 =	sshll.u32 s7, $0x7;
	s30 =	sshrl.u32 s6, $0x1;
	s8 =	sor.u32 s8, s9;
	v5 =	vand.u32 $0xF, v2  }
0xa: {  	s7 =	sadd.s32 s7, s5;
	s31 =	ssub.s32 s6, s30;
	[tilespmem:$0x1FFD0] =	vst v0;
	v1 =	vor.u32 $0x800, v0;
	s8 =	sand.u32 $0x3860, s8;
	v0 =	vcombine.low v4, v5  }
0xb: {  	s9 =	simm.s32 $0x80;
	s6 =	sadd.s32 $0xA00, s7;
	[tilespmem:$0x1FFF0] =	vst v1;
	s4 =	sadd.s32 s4, s8  }
0xc: {  	s7 =	smax.u32 s31, $0x1;
	v2 =	vimm.s32 $0x0;
	s8 =	simm.s32 $0x1000;
	s5 =	sadd.s32 $0x10, s4;
	[tilespmem:$0x1FFE0] =	vst v0  }
.LBB2_1:
0xd: {  	[tilespmem:s8], [sflag:$0x1] =	stream.linear.gather [hbm4b:s3+s2], $0x380, $0x38;
	[tilespmem:$0x1800] =	vst v63  }
0xe: {  	_ = 	snop  }
0xf: {  	[tilespmem:s2], [sflag:$0x1] =	stream.strided.gather [hbm4b:s4+s9], $0x800, s10, s9, $0x38;
	[tilespmem:$0x1800] =	vst v63  }
0x10: {  	s16 =	simm.s32 $0x1  }
0x11: {  	[tilespmem:s11], [sflag:$0x1] =	stream.strided.gather [hbm4b:s5+s9], $0x800, s10, s9, $0x38;
	[tilespmem:$0x1800] =	vst v63  }
0x12: {  	_ =	swait.ge [sflag:s16], $0x380  }
0x13: {  	[sflag:s16] =	ssyncset.done $0x0  }
0x14: {  	[sflag:s16] =	ssyncadd.s32 $0xFFFFFC80  }
0x15: {  	_ =	swait.ge [sflag:s16], $0x800  }
0x16: {  	[sflag:s16] =	ssyncset.done $0x0  }
0x17: {  	[sflag:s16] =	ssyncadd.s32 $0xFFFFF800  }
0x18: {  	_ =	swait.ge [sflag:s16], $0x800  }
0x19: {  	v0 =	vld [tilespmem:$0x1FFD0];
	_ =	sdelay $0x3  }
0x1a: {  	[sflag:s16] =	ssyncset.done $0x0  }
0x1b: {  	[sflag:s16] =	ssyncadd.s32 $0xFFFFF800  }
0x1c: {  	v7 =	vld.idx.msk [tilespmem:v1+s2+$0x0], $0xffff;
	_ =	sdelay $0x1  }
0x1d: {  	v5 =	vld.idx.msk [tilespmem:v0+s2+$0x0], $0xffff;
	_ =	sdelay $0x5  }
0x1e: {  	v9 =	vld.idx.msk [tilespmem:v7+s8+$0x0], $0xffff;
	_ =	sdelay $0x1  }
0x1f: {  	v8 =	vld.idx.msk [tilespmem:v5+s8+$0x0], $0xffff;
	_ =	sdelay $0x1  }
0x20: {  	v19 =	vimm.s32 $0x0  }
0x21: {  	v17 =	vimm.s32 $0x0;
	v1 =	vand.u32 $0xFF, v9;
	vm15 =	vgt.s32 v9, $0xFF  }
0x22: {  	v20 =	vimm.s32 $0x0;
	vm2 =	vlt.u32 v1, $0x64;
	v12 =	vnsel vm15, $0xFFFFFFFF, v0  }
0x23: {  	v32 =	vnsel vm15, $0x100000, v0;
	v11 =	vnsel vm2, $0xFFFFFFFF, v7;
	v39 =	vand.u32 $0xFF, v8  }
0x24: {  	v7 =	vsel vm15, $0x1, v2;
	vm0 =	vgt.s32 v8, $0xFF;
	vm1 =	vlt.u32 v39, $0x64  }
0x25: {  	[tilespmem:$0x1FFB0] =	vst v1;
	v9 =	vmovc v1;
	v8 =	vnsel vm2, $0xFFFFFFFF, v0;
	v18 =	vnsel vm0, $0xFFFFFFFF, v0;
	v10 =	vnsel vm1, $0xFFFFFFFF, v5  }
0x26: {  	v13 =	vmovc v11;
	v41 =	vnsel vm0, $0x100000, v0;
	v14 =	vsel vm0, $0x1, v2;
	[tilespmem:$0x1FFC0] =	vst v39;
	v15 =	vnsel vm1, $0xFFFFFFFF, v0;
	v16 =	vmovc v10  }
.LBB2_2:
0x27: {  	v1 =	vld [tilespmem:$0x1FFD0]  }
0x28: {  	v3 =	vld [tilespmem:$0x1FFF0];
	_ =	sdelay $0x3  }
0x29: {  	v21 =	vor.u32 s16, v1  }
0x2a: {  	v23 =	vor.u32 s16, v3;
	_ =	sdelay $0x3  }
0x2b: {  	v22 =	vld.idx.msk [tilespmem:v21+s2+$0x0], $0xffff  }
0x2c: {  	v23 =	vld.idx.msk [tilespmem:v23+s2+$0x0], $0xffff;
	_ =	sdelay $0x6  }
0x2d: {  	vm2 =	vgt.s32 v18, $0xFFFFFFFF;
	v24 =	vld.idx.msk [tilespmem:v22+s8+$0x0], $0xffff  }
0x2e: {  	s17 =	sadd.s32 $0x1, s16;
	vm3 =	vgt.s32 v16, $0xFFFFFFFF;
	vm9 =	vlt.s32 v10, $0x0;
	vm12 =	vgt.s32 v12, $0xFFFFFFFF;
	s26 =	sadd.s32 $0x4, s16;
	v50 =	vld.idx.msk [tilespmem:v23+s8+$0x0], $0xffff  }
0x2f: {  	vm14 =	vgt.s32 v13, $0xFFFFFFFF;
	s31 =	sadd.s32 $0x8, s16;
	v55 =	vadd.s32 s17, v3;
	v33 =	vadd.s32 s26, v1  }
0x30: {  	v4 =	vadd.s32 s31, v3;
	v26 =	vsub.s32 v21, v18;
	v53 =	vsub.s32 v23, v13  }
0x31: {  	v52 =	vsub.s32 v21, v12;
	v26 =	vmul.u32 v26, v26;
	v31 =	vsub.s32 $0x0, v53  }
0x32: {  	v25 =	vand.u32 $0xFF, v24;
	vm1 =	vgt.s32 v24, $0xFF;
	v24 =	vshrl.u32 v24, $0x8  }
0x33: {  	vm11 =	vgt.s32 v50, $0xFF;
	vm0 =	vlt.u32 v25, $0x64;
	v24 =	vadd.s32 v14, v24  }
0x34: {  	vm2 =	vmand vm2, vm1;
	v14 =	vsub.s32 v22, v16;
	v27 =	vnsel vm1, $0x100000, v21  }
0x35: {  	v49 =	vsub.s32 v39, v25;
	v18 =	vsel vm1, v21, v18;
	v28 =	vsub.s32 $0x0, v14  }
0x36: {  	v54 =	vnsel vm11, $0x100000, v21;
	v58 =	vsel vm11, v21, v12;
	v14 =	vmin.u32 v14, v28  }
0x37: {  	v26 =	vnsel vm2, $0x0, v26;
	vm4 =	vgt.s32 v14, $0xC;
	v14 =	vadd.s32 s17, v1  }
0x38: {  	vm15 =	vlt.s32 v41, v27;
	v29 =	vsub.s32 $0x0, v49;
	vm1 =	vmand vm9, vm0  }
0x39: {  	v16 =	vsel vm0, v22, v16;
	v15 =	vsel vm0, v21, v15;
	vm2 =	vmand vm12, vm11  }
0x3a: {  	vm13 =	vlt.s32 v32, v54;
	v48 =	vsel vm15, v41, v27;
	v27 =	vmin.u32 v49, v29  }
0x3b: {  	v20 =	vadd.s32 v20, v26;
	v10 =	vsel vm1, v22, v10;
	vm10 =	veq.s32 v27, $0x6  }
0x3c: {  	v28 =	vshrl.u32 v50, $0x8;
	v29 =	vmul.u32 v52, v52;
	v22 =	vsel vm10, $0x1, v2;
	v51 =	vld.idx.msk [tilespmem:v14+s2+$0x0], $0xffff  }
0x3d: {  	v56 =	vsel vm13, v32, v54;
	v17 =	vadd.s32 v22, v17;
	v22 =	vand.u32 $0xFF, v50  }
0x3e: {  	vm7 =	vmand vm3, vm4;
	vm10 =	vlt.s32 v11, $0x0;
	v9 =	vsub.s32 v9, v22  }
0x3f: {  	vm8 =	vmand vm0, vm7;
	vm0 =	vlt.u32 v22, $0x64;
	v12 =	vsub.s32 $0x0, v9  }
0x40: {  	vm13 =	vgt.s32 v18, $0xFFFFFFFF;
	vm1 =	vmand vm10, vm0;
	v9 =	vmin.u32 v9, v12  }
0x41: {  	vm11 =	veq.s32 v9, $0x6;
	v9 =	vsel vm1, v23, v11;
	v11 =	vsel vm0, v23, v13;
	v13 =	vld.idx.msk [tilespmem:v55+s2+$0x0], $0xffff  }
0x42: {  	v7 =	vadd.s32 v7, v28;
	v28 =	vmin.u32 v53, v31;
	v29 =	vnsel vm2, $0x0, v29  }
0x43: {  	vm15 =	vgt.s32 v28, $0xC;
	v41 =	vsub.s32 v14, v58;
	v20 =	vadd.s32 v29, v20  }
0x44: {  	s28 =	sadd.s32 $0x5, s16;
	v28 =	vmul.u32 v41, v41;
	v30 =	vsel vm8, $0x1, v2;
	vm8 =	vmand vm14, vm15;
	v57 =	vld.idx.msk [tilespmem:v51+s8+$0x0], $0xffff  }
0x45: {  	v41 =	vadd.s32 s28, v1;
	vm15 =	vgt.s32 v16, $0xFFFFFFFF;
	vm9 =	vmand vm0, vm8  }
0x46: {  	v19 =	vadd.s32 v30, v19;
	v8 =	vsel vm0, v21, v8;
	v59 =	vsel vm9, $0x1, v2  }
0x47: {  	v19 =	vadd.s32 v59, v19;
	v12 =	vsel vm11, $0x1, v2;
	vm11 =	vlt.s32 v10, $0x0  }
0x48: {  	v17 =	vadd.s32 v12, v17;
	v12 =	vsub.s32 v14, v18;
	v60 =	vsub.s32 v51, v16  }
0x49: {  	s25 =	sadd.s32 $0x3, s16;
	v12 =	vmul.u32 v12, v12;
	v62 =	vsub.s32 $0x0, v60;
	v36 =	vld.idx.msk [tilespmem:v13+s8+$0x0], $0xffff;
	v21 =	vand.u32 $0xFF, v57  }
0x4a: {  	vm12 =	vgt.s32 v57, $0xFF;
	v23 =	vshrl.u32 v57, $0x8;
	v57 =	vadd.s32 s25, v3  }
0x4b: {  	vm0 =	vlt.u32 v21, $0x64;
	v23 =	vadd.s32 v23, v24;
	vm2 =	vmand vm13, vm12  }
0x4c: {  	v61 =	vnsel vm12, $0x100000, v14;
	v25 =	vsub.s32 v25, v21;
	v12 =	vnsel vm2, $0x0, v12  }
0x4d: {  	s24 =	sadd.s32 $0x2, s16;
	v18 =	vsel vm12, v14, v18;
	v20 =	vadd.s32 v12, v20;
	v12 =	vmin.u32 v60, v62  }
0x4e: {  	v40 =	vand.u32 $0xFF, v36;
	vm8 =	vgt.s32 v12, $0xC;
	v12 =	vadd.s32 s24, v1  }
0x4f: {  	vm13 =	vgt.s32 v36, $0xFF;
	v26 =	vshrl.u32 v36, $0x8;
	vm14 =	vlt.s32 v48, v61  }
0x50: {  	v37 =	vsub.s32 $0x0, v25;
	vm1 =	vmand vm11, vm0;
	v16 =	vsel vm0, v51, v16  }
0x51: {  	v15 =	vsel vm0, v14, v15;
	v26 =	vadd.s32 v26, v7;
	v7 =	vsub.s32 v13, v11  }
0x52: {  	v42 =	vnsel vm13, $0x100000, v14;
	v22 =	vsub.s32 v22, v40;
	v46 =	vsel vm13, v14, v58  }
0x53: {  	vm7 =	vgt.s32 v18, $0xFFFFFFFF;
	v63 =	vsel vm14, v48, v61;
	v25 =	vmin.u32 v25, v37;
	v39 =	vld.idx.msk [tilespmem:v12+s2+$0x0], $0xffff  }
0x54: {  	v10 =	vsel vm1, v51, v10;
	vm14 =	vgt.s32 v58, $0xFFFFFFFF;
	v43 =	vsub.s32 $0x0, v7  }
0x55: {  	v47 =	vsub.s32 $0x0, v22;
	vm12 =	veq.s32 v25, $0x6;
	vm2 =	vmand vm14, vm13  }
0x56: {  	v7 =	vmin.u32 v7, v43;
	v22 =	vmin.u32 v22, v47;
	vm9 =	vmand vm15, vm8  }
0x57: {  	v25 =	vsel vm12, $0x1, v2;
	v28 =	vnsel vm2, $0x0, v28;
	vm15 =	vlt.s32 v56, v42  }
0x58: {  	vm8 =	vgt.s32 v11, $0xFFFFFFFF;
	vm12 =	vlt.s32 v9, $0x0;
	vm13 =	veq.s32 v22, $0x6  }
0x59: {  	vm10 =	vmand vm0, vm9;
	v17 =	vadd.s32 v25, v17;
	vm0 =	vlt.u32 v40, $0x64  }
0x5a: {  	v20 =	vadd.s32 v28, v20;
	vm9 =	vgt.s32 v7, $0xC;
	v7 =	vadd.s32 s24, v3  }
0x5b: {  	v44 =	vsel vm15, v56, v42;
	v38 =	vsel vm10, $0x1, v2;
	vm10 =	vmand vm8, vm9;
	v45 =	vld.idx.msk [tilespmem:v39+s8+$0x0], $0xffff  }
0x5c: {  	vm1 =	vmand vm12, vm0;
	v14 =	vsel vm0, v14, v8;
	vm9 =	vgt.s32 v16, $0xFFFFFFFF  }
0x5d: {  	vm12 =	vlt.s32 v10, $0x0;
	v19 =	vadd.s32 v38, v19;
	vm11 =	vmand vm0, vm10  }
0x5e: {  	v22 =	vsel vm1, v13, v9;
	v13 =	vsel vm0, v13, v11;
	v9 =	vsel vm13, $0x1, v2  }
0x5f: {  	v48 =	vsel vm11, $0x1, v2;
	v8 =	vadd.s32 v9, v17;
	v49 =	vld.idx.msk [tilespmem:v7+s2+$0x0], $0xffff;
	v7 =	vsub.s32 v12, v18  }
0x60: {  	v19 =	vadd.s32 v48, v19;
	v11 =	vmul.u32 v7, v7;
	v17 =	vand.u32 $0xFF, v45  }
0x61: {  	vm14 =	vgt.s32 v45, $0xFF;
	v9 =	vshrl.u32 v45, $0x8;
	v45 =	vadd.s32 s28, v3  }
0x62: {  	vm15 =	vlt.u32 v17, $0x64;
	v0 =	vadd.s32 v9, v23;
	vm2 =	vmand vm7, vm14  }
0x63: {  	v9 =	vsub.s32 v39, v16;
	v23 =	vnsel vm14, $0x100000, v12;
	v18 =	vsel vm14, v12, v18  }
0x64: {  	v21 =	vsub.s32 v21, v17;
	vm7 =	vgt.s32 v46, $0xFFFFFFFF;
	v11 =	vnsel vm2, $0x0, v11  }
0x65: {  	v50 =	vsub.s32 $0x0, v9;
	vm8 =	vlt.s32 v63, v23;
	vm13 =	vmand vm12, vm15  }
0x66: {  	v52 =	vsub.s32 $0x0, v21;
	v16 =	vsel vm15, v39, v16;
	vm5 =	vgt.s32 v18, $0xFFFFFFFF  }
0x67: {  	v11 =	vadd.s32 v11, v20;
	v9 =	vmin.u32 v9, v50;
	v20 =	vadd.s32 s25, v1  }
0x68: {  	v23 =	vsel vm8, v63, v23;
	v53 =	vsel vm13, v39, v10;
	vm10 =	vgt.s32 v9, $0xC;
	v9 =	vld.idx.msk [tilespmem:v49+s8+$0x0], $0xffff  }
0x69: {  	v10 =	vmin.u32 v21, v52;
	v21 =	vsel vm15, v12, v15;
	v15 =	vsub.s32 v12, v46  }
0x6a: {  	vm14 =	veq.s32 v10, $0x6;
	v15 =	vmul.u32 v15, v15;
	vm11 =	vmand vm9, vm10  }
0x6b: {  	v10 =	vsel vm14, $0x1, v2;
	vm10 =	vgt.s32 v13, $0xFFFFFFFF;
	vm0 =	vmand vm15, vm11  }
0x6c: {  	vm14 =	vlt.s32 v22, $0x0;
	v56 =	vadd.s32 v10, v8;
	v51 =	vsel vm0, $0x1, v2;
	v54 =	vld.idx.msk [tilespmem:v20+s2+$0x0], $0xffff  }
0x6d: {  	v10 =	vsub.s32 v49, v13;
	v19 =	vadd.s32 v51, v19;
	v55 =	vand.u32 $0xFF, v9  }
0x6e: {  	vm15 =	vgt.s32 v9, $0xFF;
	v8 =	vshrl.u32 v9, $0x8;
	vm8 =	vlt.u32 v55, $0x64  }
0x6f: {  	[tilespmem:$0x1FF90] =	vst v0;
	vm1 =	vmand vm7, vm15;
	v0 =	vadd.s32 v8, v26;
	v58 =	vsel vm15, v12, v46  }
0x70: {  	v9 =	vnsel vm1, $0x0, v15;
	v15 =	vnsel vm15, $0x100000, v12;
	vm0 =	vmand vm14, vm8  }
0x71: {  	v60 =	vsel vm8, v49, v13;
	v61 =	vsel vm8, v12, v14;
	vm14 =	vgt.s32 v58, $0xFFFFFFFF  }
0x72: {  	v9 =	vadd.s32 v9, v11;
	v11 =	vsub.s32 $0x0, v10;
	vm9 =	vlt.s32 v44, v15  }
0x73: {  	v22 =	vsel vm0, v49, v22;
	v10 =	vmin.u32 v10, v11;
	v11 =	vsub.s32 v40, v55  }
0x74: {  	v28 =	vsel vm9, v44, v15;
	vm11 =	vgt.s32 v10, $0xC;
	v15 =	vsub.s32 $0x0, v11;
	v10 =	vld.idx.msk [tilespmem:v54+s8+$0x0], $0xffff  }
0x75: {  	vm12 =	vmand vm10, vm11;
	v15 =	vmin.u32 v11, v15;
	vm10 =	vlt.s32 v53, $0x0  }
0x76: {  	vm13 =	vmand vm8, vm12;
	vm15 =	veq.s32 v15, $0x6;
	v15 =	vsub.s32 v54, v16  }
0x77: {  	v26 =	vld.idx.msk [tilespmem:v57+s2+$0x0], $0xffff;
	vm8 =	vgt.s32 v16, $0xFFFFFFFF;
	v59 =	vsel vm13, $0x1, v2;
	v13 =	vsel vm15, $0x1, v2  }
0x78: {  	v11 =	vadd.s32 v59, v19;
	v12 =	vadd.s32 v13, v56;
	v13 =	vsub.s32 v20, v18  }
0x79: {  	v13 =	vmul.u32 v13, v13;
	v62 =	vand.u32 $0xFF, v10;
	vm4 =	vgt.s32 v10, $0xFF  }
0x7a: {  	v19 =	vsub.s32 $0x0, v15;
	vm6 =	vlt.u32 v62, $0x64;
	vm1 =	vmand vm5, vm4  }
0x7b: {  	v14 =	vnsel vm4, $0x100000, v20;
	v34 =	vsel vm4, v20, v18;
	v13 =	vnsel vm1, $0x0, v13  }
0x7c: {  	vm7 =	vlt.s32 v23, v14;
	vm1 =	vmand vm10, vm6;
	v27 =	vsel vm6, v54, v16  }
0x7d: {  	v36 =	vsel vm6, v20, v21;
	v21 =	vadd.s32 s26, v3;
	v23 =	vsel vm7, v23, v14  }
0x7e: {  	v14 =	vmin.u32 v15, v19;
	v15 =	vsub.s32 v17, v62;
	v24 =	vsel vm1, v54, v53  }
0x7f: {  	v19 =	vsub.s32 v26, v60;
	v9 =	vadd.s32 v13, v9;
	vm9 =	vgt.s32 v14, $0xC;
	v14 =	vld.idx.msk [tilespmem:v26+s8+$0x0], $0xffff  }
0x80: {  	v17 =	vsub.s32 $0x0, v15;
	v38 =	vsub.s32 $0x0, v19;
	vm0 =	vmand vm8, vm9  }
0x81: {  	v17 =	vmin.u32 v15, v17;
	vm8 =	vlt.s32 v22, $0x0;
	vm0 =	vmand vm6, vm0  }
0x82: {  	vm11 =	veq.s32 v17, $0x6;
	v17 =	vsub.s32 v20, v58;
	vm6 =	vgt.s32 v60, $0xFFFFFFFF  }
0x83: {  	v15 =	vsel vm0, $0x1, v2;
	v16 =	vsel vm11, $0x1, v2;
	v17 =	vmul.u32 v17, v17  }
0x84: {  	v11 =	vadd.s32 v15, v11;
	v12 =	vadd.s32 v16, v12;
	v37 =	vand.u32 $0xFF, v14  }
0x85: {  	v35 =	vld.idx.msk [tilespmem:v33+s2+$0x0], $0xffff;
	vm12 =	vgt.s32 v14, $0xFF;
	v13 =	vshrl.u32 v14, $0x8;
	vm13 =	vlt.u32 v37, $0x64  }
0x86: {  	v32 =	vld.idx.msk [tilespmem:v41+s2+$0x0], $0xffff;
	v18 =	vnsel vm12, $0x100000, v20;
	vm2 =	vmand vm14, vm12;
	v63 =	vsel vm12, v20, v58  }
0x87: {  	v49 =	vld.idx.msk [tilespmem:v21+s2+$0x0], $0xffff;
	v48 =	vsub.s32 v55, v37;
	vm12 =	vgt.s32 v34, $0xFFFFFFFF;
	vm14 =	vgt.s32 v27, $0xFFFFFFFF  }
0x88: {  	vm15 =	vlt.s32 v28, v18;
	v17 =	vnsel vm2, $0x0, v17;
	vm2 =	vmand vm8, vm13  }
0x89: {  	v29 =	vsub.s32 $0x0, v48;
	v50 =	vsel vm13, v26, v60;
	v51 =	vsel vm13, v20, v61  }
0x8a: {  	v56 =	vsub.s32 v33, v63;
	v28 =	vsel vm15, v28, v18;
	v18 =	vmin.u32 v19, v38  }
0x8b: {  	s29 =	sadd.s32 $0x6, s16;
	[tilespmem:$0x1FFA0] =	vst v0;
	v40 =	vsel vm2, v26, v22;
	v21 =	vmin.u32 v48, v29;
	v22 =	vsub.s32 v35, v27  }
0x8c: {  	v14 =	vld [tilespmem:$0x1FFA0];
	v58 =	vsub.s32 v49, v50;
	v48 =	vadd.s32 s29, v1;
	v9 =	vadd.s32 v17, v9  }
0x8d: {  	vm7 =	vgt.s32 v18, $0xC;
	vm9 =	veq.s32 v21, $0x6;
	v21 =	vsub.s32 v33, v34  }
0x8e: {  	v26 =	vld.idx.msk [tilespmem:v32+s8+$0x0], $0xffff;
	v53 =	vsub.s32 $0x0, v22;
	v46 =	vsub.s32 $0x0, v58;
	vm4 =	vlt.s32 v40, $0x0  }
0x8f: {  	v18 =	vld.idx.msk [tilespmem:v35+s8+$0x0], $0xffff;
	vm0 =	vmand vm6, vm7;
	v20 =	vsel vm9, $0x1, v2;
	v21 =	vmul.u32 v21, v21  }
0x90: {  	v22 =	vmin.u32 v22, v53;
	vm7 =	vlt.s32 v24, $0x0;
	v59 =	vmin.u32 v58, v46  }
0x91: {  	v13 =	vadd.s32 v13, v14;
	vm0 =	vmand vm13, vm0;
	vm15 =	vgt.s32 v22, $0xC  }
0x92: {  	v12 =	vadd.s32 v20, v12;
	v19 =	vsel vm0, $0x1, v2;
	vm6 =	vmand vm14, vm15  }
0x93: {  	vm14 =	vgt.s32 v50, $0xFFFFFFFF;
	vm15 =	vgt.s32 v59, $0xC;
	v46 =	vand.u32 $0xFF, v26  }
0x94: {  	v22 =	vld.idx.msk [tilespmem:v49+s8+$0x0], $0xffff;
	v11 =	vadd.s32 v19, v11;
	v31 =	vand.u32 $0xFF, v18;
	vm10 =	vgt.s32 v18, $0xFF  }
0x95: {  	v14 =	vshrl.u32 v18, $0x8;
	vm11 =	vlt.u32 v31, $0x64;
	vm2 =	vmand vm12, vm10  }
0x96: {  	v52 =	vnsel vm10, $0x100000, v33;
	v34 =	vsel vm10, v33, v34;
	v54 =	vsub.s32 v62, v31  }
0x97: {  	v21 =	vnsel vm2, $0x0, v21;
	vm13 =	vlt.s32 v23, v52;
	vm0 =	vmand vm11, vm6  }
0x98: {  	v55 =	vsub.s32 $0x0, v54;
	vm8 =	vmand vm7, vm11;
	v36 =	vsel vm11, v33, v36  }
0x99: {  	v44 =	vand.u32 $0xFF, v22;
	vm10 =	vgt.s32 v22, $0xFF;
	vm6 =	vgt.s32 v26, $0xFF  }
0x9a: {  	v62 =	vsub.s32 v41, v34;
	vm7 =	vlt.u32 v46, $0x64;
	v15 =	vshrl.u32 v22, $0x8  }
0x9b: {  	v42 =	vsel vm13, v23, v52;
	v23 =	vsel vm0, $0x1, v2;
	v25 =	vmin.u32 v54, v55  }
0x9c: {  	v43 =	vsel vm8, v35, v24;
	v35 =	vsel vm11, v35, v27;
	vm11 =	vgt.s32 v63, $0xFFFFFFFF  }
0x9d: {  	vm12 =	vlt.u32 v44, $0x64;
	v57 =	vnsel vm10, $0x100000, v33;
	v38 =	vsel vm10, v33, v63  }
0x9e: {  	v60 =	vsub.s32 v37, v44;
	vm0 =	vmand vm14, vm15;
	vm8 =	vgt.s32 v34, $0xFFFFFFFF  }
0x9f: {  	v29 =	vmul.u32 v62, v62;
	v63 =	vnsel vm6, $0x100000, v41;
	v54 =	vsub.s32 v31, v46  }
0xa0: {  	v9 =	vadd.s32 v21, v9;
	v13 =	vadd.s32 v15, v13;
	v15 =	vshrl.u32 v26, $0x8  }
0xa1: {  	vm9 =	veq.s32 v25, $0x6;
	vm1 =	vmand vm11, vm10;
	v25 =	vmul.u32 v56, v56  }
0xa2: {  	vm13 =	vlt.s32 v28, v57;
	v61 =	vsub.s32 $0x0, v60;
	vm0 =	vmand vm12, vm0  }
0xa3: {  	v37 =	vld.idx.msk [tilespmem:v45+s2+$0x0], $0xffff;
	v39 =	vsel vm12, v49, v50;
	v45 =	vsel vm12, v33, v51;
	v52 =	vsub.s32 v32, v35  }
0xa4: {  	vm2 =	vmand vm8, vm6;
	vm10 =	vgt.s32 v35, $0xFFFFFFFF;
	v55 =	vsub.s32 $0x0, v54  }
0xa5: {  	v56 =	vsub.s32 v41, v38;
	v11 =	vadd.s32 v23, v11;
	v24 =	vsel vm9, $0x1, v2  }
0xa6: {  	v47 =	vsel vm13, v28, v57;
	v28 =	vmin.u32 v60, v61;
	v27 =	vsel vm0, $0x1, v2  }
0xa7: {  	vm9 =	vlt.s32 v42, v63;
	v29 =	vnsel vm2, $0x0, v29;
	v33 =	vmin.u32 v54, v55  }
0xa8: {  	v54 =	vadd.s32 s29, v3;
	v25 =	vnsel vm1, $0x0, v25;
	vm1 =	vmand vm4, vm12  }
0xa9: {  	vm5 =	veq.s32 v28, $0x6;
	v42 =	vsel vm9, v42, v63;
	vm12 =	vlt.s32 v43, $0x0  }
0xaa: {  	v50 =	vld.idx.msk [tilespmem:v48+s2+$0x0], $0xffff;
	vm13 =	veq.s32 v33, $0x6;
	v12 =	vadd.s32 v24, v12;
	v11 =	vadd.s32 v27, v11  }
0xab: {  	v40 =	vsel vm1, v49, v40;
	v28 =	vsel vm5, $0x1, v2;
	v49 =	vsub.s32 $0x0, v52  }
0xac: {  	vm2 =	vmand vm12, vm7;
	v33 =	vsel vm13, $0x1, v2;
	vm5 =	vgt.s32 v38, $0xFFFFFFFF  }
0xad: {  	v9 =	vadd.s32 v25, v9;
	v53 =	vmin.u32 v52, v49;
	v49 =	vsel vm6, v41, v34  }
0xae: {  	v51 =	vsel vm2, v32, v43;
	v32 =	vsel vm7, v32, v35;
	v52 =	vsel vm7, v41, v36  }
0xaf: {  	v34 =	vmul.u32 v56, v56;
	v57 =	vsub.s32 v37, v39;
	v12 =	vadd.s32 v28, v12  }
0xb0: {  	v9 =	vadd.s32 v29, v9;
	vm11 =	vgt.s32 v53, $0xC;
	v59 =	vsub.s32 $0x0, v57;
	v30 =	vld.idx.msk [tilespmem:v37+s8+$0x0], $0xffff  }
0xb1: {  	v62 =	vsub.s32 v48, v49;
	v12 =	vadd.s32 v33, v12;
	v35 =	vmin.u32 v57, v59  }
0xb2: {  	s30 =	sadd.s32 $0x7, s16;
	vm0 =	vmand vm10, vm11;
	vm10 =	vlt.s32 v40, $0x0;
	vm8 =	vgt.s32 v35, $0xC;
	v35 =	vld.idx.msk [tilespmem:v50+s8+$0x0], $0xffff  }
0xb3: {  	v57 =	vadd.s32 s30, v1;
	vm0 =	vmand vm7, vm0;
	vm7 =	vgt.s32 v39, $0xFFFFFFFF  }
0xb4: {  	v31 =	vsel vm0, $0x1, v2;
	vm9 =	vmand vm7, vm8;
	vm7 =	vlt.s32 v51, $0x0  }
0xb5: {  	v11 =	vadd.s32 v31, v11;
	v53 =	vand.u32 $0xFF, v30;
	vm14 =	vgt.s32 v30, $0xFF  }
0xb6: {  	vm15 =	vlt.u32 v53, $0x64;
	vm2 =	vmand vm5, vm14;
	v58 =	vnsel vm14, $0x100000, v41  }
0xb7: {  	v55 =	vsel vm14, v41, v38;
	v60 =	vsub.s32 v44, v53;
	v56 =	vand.u32 $0xFF, v35  }
0xb8: {  	vm13 =	vgt.s32 v35, $0xFF;
	vm14 =	vgt.s32 v49, $0xFFFFFFFF;
	vm5 =	vgt.s32 v32, $0xFFFFFFFF  }
0xb9: {  	v34 =	vnsel vm2, $0x0, v34;
	vm6 =	vlt.s32 v47, v58;
	vm0 =	vmand vm15, vm9  }
0xba: {  	v61 =	vsub.s32 $0x0, v60;
	vm11 =	vmand vm10, vm15;
	v39 =	vsel vm15, v37, v39  }
0xbb: {  	v41 =	vsel vm15, v41, v45;
	vm15 =	vlt.u32 v56, $0x64;
	vm1 =	vmand vm14, vm13  }
0xbc: {  	v54 =	vld.idx.msk [tilespmem:v54+s2+$0x0], $0xffff;
	v63 =	vnsel vm13, $0x100000, v48;
	v59 =	vsel vm13, v48, v49;
	v47 =	vsel vm6, v47, v58  }
0xbd: {  	v36 =	vsel vm0, $0x1, v2;
	v38 =	vmin.u32 v60, v61;
	v40 =	vsel vm11, v37, v40  }
0xbe: {  	v60 =	vsub.s32 v50, v32;
	vm4 =	vlt.s32 v42, v63;
	v32 =	vsel vm15, v50, v32  }
0xbf: {  	vm11 =	vgt.s32 v55, $0xFFFFFFFF;
	vm13 =	vgt.s32 v39, $0xFFFFFFFF;
	v9 =	vadd.s32 v34, v9  }
0xc0: {  	vm12 =	veq.s32 v38, $0x6;
	v38 =	vmul.u32 v62, v62;
	v61 =	vsub.s32 $0x0, v60  }
0xc1: {  	v58 =	vsel vm4, v42, v63;
	v63 =	vsub.s32 v46, v56;
	v11 =	vadd.s32 v36, v11  }
0xc2: {  	v37 =	vsel vm12, $0x1, v2;
	v62 =	vmin.u32 v60, v61;
	v49 =	vsub.s32 $0x0, v63  }
0xc3: {  	v38 =	vnsel vm1, $0x0, v38;
	vm6 =	vgt.s32 v62, $0xC;
	vm1 =	vmand vm7, vm15  }
0xc4: {  	v42 =	vld.idx.msk [tilespmem:v54+s8+$0x0], $0xffff;
	v44 =	vmin.u32 v63, v49;
	v49 =	vsub.s32 v54, v39;
	v12 =	vadd.s32 v37, v12  }
0xc5: {  	vm0 =	vmand vm5, vm6;
	v61 =	vsel vm1, v50, v51;
	vm8 =	veq.s32 v44, $0x6  }
0xc6: {  	v50 =	vsel vm15, v48, v52;
	v52 =	vsub.s32 v48, v55;
	v51 =	vadd.s32 s30, v3  }
0xc7: {  	vm6 =	vgt.s32 v59, $0xFFFFFFFF;
	v9 =	vadd.s32 v38, v9;
	vm0 =	vmand vm15, vm0  }
0xc8: {  	v60 =	vld.idx.msk [tilespmem:v57+s2+$0x0], $0xffff;
	v44 =	vsel vm8, $0x1, v2;
	v45 =	vmul.u32 v52, v52;
	v52 =	vsub.s32 $0x0, v49  }
0xc9: {  	vm15 =	vlt.s32 v40, $0x0;
	v43 =	vsel vm0, $0x1, v2;
	v62 =	vand.u32 $0xFF, v42  }
0xca: {  	vm9 =	vgt.s32 v42, $0xFF;
	v49 =	vmin.u32 v49, v52;
	v12 =	vadd.s32 v44, v12  }
0xcb: {  	vm10 =	vlt.u32 v62, $0x64;
	v63 =	vnsel vm9, $0x100000, v48;
	vm2 =	vmand vm11, vm9  }
0xcc: {  	v55 =	vsel vm9, v48, v55;
	vm14 =	vgt.s32 v49, $0xC;
	vm9 =	vgt.s32 v32, $0xFFFFFFFF  }
0xcd: {  	vm11 =	vlt.s32 v61, $0x0;
	v11 =	vadd.s32 v43, v11;
	vm12 =	vlt.s32 v47, v63  }
0xce: {  	v45 =	vnsel vm2, $0x0, v45;
	vm0 =	vmand vm13, vm14;
	vm2 =	vmand vm15, vm10  }
0xcf: {  	v39 =	vsel vm10, v54, v39;
	v41 =	vsel vm10, v48, v41;
	vm14 =	vgt.s32 v55, $0xFFFFFFFF;
	v0 =	vld.idx.msk [tilespmem:v51+s2+$0x0], $0xffff  }
0xd0: {  	v63 =	vsel vm12, v47, v63;
	v47 =	vsub.s32 v53, v62;
	vm0 =	vmand vm10, vm0;
	v46 =	vld.idx.msk [tilespmem:v60+s8+$0x0], $0xffff  }
0xd1: {  	v5 =	vsel vm2, v54, v40;
	v53 =	vsub.s32 v57, v59;
	v52 =	vsub.s32 $0x0, v47  }
0xd2: {  	v40 =	vadd.s32 s31, v1;
	v9 =	vadd.s32 v45, v9;
	v52 =	vmin.u32 v47, v52  }
0xd3: {  	v49 =	vsel vm0, $0x1, v2;
	v54 =	vmul.u32 v53, v53;
	vm4 =	veq.s32 v52, $0x6  }
0xd4: {  	v53 =	vsub.s32 v60, v32;
	v11 =	vadd.s32 v49, v11;
	v51 =	vsel vm4, $0x1, v2  }
0xd5: {  	v3 =	vsub.s32 v0, v39;
	v12 =	vadd.s32 v51, v12;
	v6 =	vand.u32 $0xFF, v46  }
0xd6: {  	vm5 =	vgt.s32 v46, $0xFF;
	v1 =	vsub.s32 $0x0, v3;
	vm7 =	vlt.u32 v6, $0x64  }
0xd7: {  	vm2 =	vmand vm6, vm5;
	v48 =	vnsel vm5, $0x100000, v57;
	v47 =	vsub.s32 v56, v6  }
0xd8: {  	v1 =	vmin.u32 v3, v1;
	v52 =	vnsel vm2, $0x0, v54;
	v54 =	vsub.s32 $0x0, v53  }
0xd9: {  	vm8 =	vlt.s32 v58, v48;
	vm2 =	vmand vm11, vm7;
	v54 =	vmin.u32 v53, v54;
	v53 =	vld.idx.msk [tilespmem:v40+s2+$0x0], $0xffff  }
0xda: {  	v58 =	vsel vm8, v58, v48;
	vm10 =	vgt.s32 v54, $0xC;
	v54 =	vsub.s32 $0x0, v47  }
0xdb: {  	v48 =	vsel vm5, v57, v59;
	v59 =	vld.idx.msk [tilespmem:v0+s8+$0x0], $0xffff;
	v61 =	vsel vm2, v60, v61;
	v47 =	vmin.u32 v47, v54  }
0xdc: {  	v9 =	vadd.s32 v52, v9;
	vm1 =	vmand vm9, vm10;
	vm12 =	veq.s32 v47, $0x6;
	v47 =	vld.idx.msk [tilespmem:v4+s2+$0x0], $0xffff  }
0xdd: {  	v54 =	vsel vm7, v57, v50;
	vm9 =	vgt.s32 v39, $0xFFFFFFFF;
	vm10 =	vgt.s32 v1, $0xC  }
0xde: {  	vm1 =	vmand vm7, vm1;
	v4 =	vsel vm7, v60, v32;
	v32 =	vsub.s32 v57, v55  }
0xdf: {  	vm11 =	vmand vm9, vm10;
	v56 =	vsel vm1, $0x1, v2;
	v60 =	vsel vm12, $0x1, v2  }
0xe0: {  	v32 =	vmul.u32 v32, v32;
	v50 =	vand.u32 $0xFF, v59;
	vm13 =	vgt.s32 v59, $0xFF  }
0xe1: {  	vm12 =	vlt.s32 v5, $0x0;
	vm15 =	vlt.u32 v50, $0x64;
	vm1 =	vmand vm14, vm13;
	v3 =	vld.idx.msk [tilespmem:v53+s8+$0x0], $0xffff  }
0xe2: {  	v55 =	vsel vm13, v57, v55;
	v8 =	vnsel vm1, $0x0, v32;
	v32 =	vnsel vm13, $0x100000, v57  }
0xe3: {  	vm13 =	vmand vm15, vm11;
	vm14 =	vmand vm12, vm15;
	vm8 =	vlt.s32 v63, v32  }
0xe4: {  	v57 =	vsel vm15, v57, v41;
	v1 =	vsel vm8, v63, v32;
	v32 =	vsub.s32 v62, v50;
	v63 =	vld.idx.msk [tilespmem:v47+s8+$0x0], $0xffff  }
0xe5: {  	vm11 =	vgt.s32 v48, $0xFFFFFFFF;
	v5 =	vsel vm14, v0, v5;
	v62 =	vsub.s32 $0x0, v32  }
0xe6: {  	v0 =	vsel vm15, v0, v39;
	v32 =	vmin.u32 v32, v62;
	vm0 =	vgt.s32 v3, $0xFF  }
0xe7: {  	vm15 =	veq.s32 v32, $0x6;
	v39 =	vand.u32 $0xFF, v3;
	v62 =	vnsel vm0, $0x100000, v40  }
0xe8: {  	v32 =	vsub.s32 v53, v4;
	v6 =	vsub.s32 v6, v39;
	vm8 =	vlt.s32 v58, v62  }
0xe9: {  	v41 =	vsel vm8, v58, v62;
	v62 =	vsub.s32 $0x0, v32;
	vm1 =	vgt.s32 v63, $0xFF  }
0xea: {  	vm14 =	vlt.u32 v39, $0x64;
	v32 =	vmin.u32 v32, v62;
	v58 =	vnsel vm1, $0x100000, v40  }
0xeb: {  	v62 =	vsub.s32 v40, v48;
	vm9 =	vgt.s32 v32, $0xC;
	vm10 =	vlt.s32 v1, v58  }
0xec: {  	v62 =	vmul.u32 v62, v62;
	v32 =	vsel vm10, v1, v58;
	v1 =	vsub.s32 $0x0, v6  }
0xed: {  	v1 =	vmin.u32 v6, v1;
	v6 =	vsel vm15, $0x1, v2;
	vm15 =	vlt.s32 v61, $0x0  }
0xee: {  	v11 =	vadd.s32 v56, v11;
	vm12 =	vmand vm11, vm0;
	vm8 =	vmand vm15, vm14  }
0xef: {  	v58 =	vnsel vm12, $0x0, v62;
	v62 =	vshrl.u32 v10, $0x8;
	v10 =	vsel vm8, v53, v61;
	v61 =	vld [tilespmem:$0x1FF90]  }
0xf0: {  	v12 =	vadd.s32 v60, v12;
	v7 =	vsel vm13, $0x1, v2;
	vm13 =	vgt.s32 v4, $0xFFFFFFFF  }
0xf1: {  	v8 =	vadd.s32 v8, v9;
	v7 =	vadd.s32 v7, v11;
	v3 =	vshrl.u32 v3, $0x8  }
0xf2: {  	v18 =	vsel vm0, v40, v48;
	vm11 =	vgt.s32 v0, $0xFFFFFFFF;
	v16 =	vsel vm14, v53, v4  }
0xf3: {  	v4 =	vsub.s32 v47, v0;
	v9 =	vand.u32 $0xFF, v63;
	vm3 =	vmand vm13, vm9  }
0xf4: {  	vm9 =	vgt.s32 v55, $0xFFFFFFFF;
	vm10 =	vlt.u32 v9, $0x64;
	v61 =	vadd.s32 v62, v61  }
0xf5: {  	vm13 =	vlt.s32 v5, $0x0;
	vm3 =	vmand vm14, vm3;
	v14 =	vadd.s32 v14, v61  }
0xf6: {  	vm0 =	vmand vm9, vm1;
	v14 =	vadd.s32 v15, v14;
	v15 =	vshrl.u32 v30, $0x8  }
0xf7: {  	vm5 =	veq.s32 v1, $0x6;
	v13 =	vadd.s32 v15, v13;
	v15 =	vshrl.u32 v35, $0x8  }
0xf8: {  	v1 =	vsel vm3, $0x1, v2;
	v14 =	vadd.s32 v15, v14;
	v15 =	vshrl.u32 v42, $0x8  }
0xf9: {  	v6 =	vadd.s32 v6, v12;
	v13 =	vadd.s32 v15, v13;
	v15 =	vshrl.u32 v46, $0x8  }
0xfa: {  	v12 =	vsel vm1, v40, v55;
	v1 =	vadd.s32 v1, v7;
	v14 =	vadd.s32 v15, v14  }
0xfb: {  	v14 =	vadd.s32 v3, v14;
	v3 =	vadd.s32 v58, v8;
	v8 =	vsub.s32 $0x0, v4  }
0xfc: {  	v7 =	vshrl.u32 v63, $0x8;
	v4 =	vmin.u32 v4, v8;
	v8 =	vsub.s32 v40, v55  }
0xfd: {  	v62 =	vsel vm5, $0x1, v2;
	v15 =	vshrl.u32 v59, $0x8;
	v8 =	vmul.u32 v8, v8  }
0xfe: {  	v6 =	vadd.s32 v62, v6;
	v13 =	vadd.s32 v15, v13;
	v15 =	vsel vm14, v40, v54  }
0xff: {  	p0 =	slt.u32 s16, $0x76;
	vm12 =	vgt.s32 v4, $0xC;
	v4 =	vsub.s32 v50, v9;
	v8 =	vnsel vm0, $0x0, v8  }
.Ltmp0:
0x100: {  	vm1 =	vmand vm11, vm12;
	v20 =	vadd.s32 v8, v3;
	v3 =	vsub.s32 $0x0, v4;
	(pc) =	sbr.rel @p0 .LBB2_2-.Ltmp0, $4  }
0x101: {  	vm14 =	vmand vm13, vm10;
	vm1 =	vmand vm10, vm1;
	v3 =	vmin.u32 v4, v3  }
0x102: {  	v7 =	vadd.s32 v7, v13;
	v4 =	vsel vm1, $0x1, v2;
	vm15 =	veq.s32 v3, $0x6  }
0x103: {  	v11 =	vsel vm14, v47, v5;
	v19 =	vadd.s32 v4, v1;
	v1 =	vsel vm15, $0x1, v2  }
0x104: {  	s16 =	sadd.s32 $0x9, s16;
	v13 =	vsel vm10, v47, v0;
	v8 =	vsel vm10, v40, v57;
	v17 =	vadd.s32 v1, v6  }
0x105: {  	v3 =	vld [tilespmem:$0x1FFD0];
	_ =	sdelay $0x4  }
0x106: {  	v0 =	vor.u32 $0x7F, v3  }
0x107: {  	v3 =	vor.u32 $0x87F, v3;
	_ =	sdelay $0x3  }
0x108: {  	v1 =	vld.idx.msk [tilespmem:v0+s2+$0x0], $0xffff  }
0x109: {  	v3 =	vld.idx.msk [tilespmem:v3+s2+$0x0], $0xffff;
	_ =	sdelay $0x6  }
0x10a: {  	vm1 =	vgt.s32 v18, $0xFFFFFFFF;
	vm14 =	vgt.s32 v16, $0xFFFFFFFF;
	v4 =	vld.idx.msk [tilespmem:v1+s8+$0x0], $0xffff  }
0x10b: {  	vm5 =	vlt.s32 v10, $0x0;
	vm10 =	vgt.s32 v12, $0xFFFFFFFF;
	vm12 =	vgt.s32 v13, $0xFFFFFFFF;
	v48 =	vld.idx.msk [tilespmem:v3+s8+$0x0], $0xffff  }
0x10c: {  	v31 =	vlaneseq.u32;
	v5 =	vsub.s32 v0, v18;
	v6 =	vsub.s32 v1, v16  }
0x10d: {  	v57 =	vsub.s32 v0, v12;
	v55 =	vsub.s32 v3, v13;
	v21 =	vsub.s32 $0x0, v6  }
0x10e: {  	v5 =	vmul.u32 v5, v5;
	v24 =	vsub.s32 $0x0, v55;
	v6 =	vmin.u32 v6, v21  }
0x10f: {  	vm2 =	vgt.s32 v6, $0xC;
	vm0 =	vgt.s32 v4, $0xFF;
	v47 =	vand.u32 $0xFF, v4  }
0x110: {  	v4 =	vshrl.u32 v4, $0x8;
	vm7 =	vgt.s32 v48, $0xFF;
	v58 =	vand.u32 $0xFF, v48  }
0x111: {  	v6 =	vshrl.u32 v48, $0x8;
	vm1 =	vmand vm1, vm0;
	v22 =	vnsel vm0, $0x100000, v0  }
0x112: {  	vm15 =	vlt.u32 v47, $0x64;
	v49 =	vsel vm0, v0, v18;
	v52 =	vsub.s32 v39, v47  }
0x113: {  	v54 =	vnsel vm7, $0x100000, v0;
	v59 =	vsel vm7, v0, v12;
	v9 =	vsub.s32 v9, v58  }
0x114: {  	v4 =	vadd.s32 v4, v14;
	v6 =	vadd.s32 v6, v7;
	v5 =	vnsel vm1, $0x0, v5  }
0x115: {  	vm13 =	vlt.s32 v41, v22;
	vm1 =	vmand vm14, vm2;
	vm6 =	vmand vm5, vm15  }
0x116: {  	v53 =	vsub.s32 $0x0, v52;
	v15 =	vsel vm15, v0, v15;
	vm9 =	vlt.s32 v32, v54  }
0x117: {  	v56 =	vxor.u32 $0x80000000, v49;
	vm14 =	vlt.u32 v58, $0x64;
	v62 =	vsub.s32 $0x0, v9  }
0x118: {  	v27 =	vxor.u32 $0x80000000, v59;
	v6 =	vadd.s32 $0xFFFFFFFF, v6;
	v22 =	vsel vm13, v41, v22  }
0x119: {  	v5 =	vadd.s32 v20, v5;
	vm4 =	vmand vm15, vm1;
	v51 =	vsel vm6, v1, v10  }
0x11a: {  	v1 =	vsel vm15, v1, v16;
	v16 =	vmin.u32 v52, v53;
	v25 =	vshll.u32 v15, $0x7  }
0x11b: {  	v20 =	vsel vm9, v32, v54;
	vm11 =	vgt.s32 v15, $0xFFFFFFFF;
	v1 =	vadd.s32 v1, v25  }
0x11c: {  	(xrf0) =	vmax.scan.msk.u32 $0xffff, v56;
	vm1 =	vmand vm10, vm7;
	vm8 =	veq.s32 v16, $0x6;
	v1 =	vxor.u32 $0x80000000, v1  }
0x11d: {  	vm15 =	vlt.s32 v11, $0x0;
	v23 =	vsel vm8, $0x1, v2;
	v1 =	vnsel vm11, $0x7FFFFFFF, v1  }
0x11e: {  	v0 =	vsel vm14, v0, v8;
	v63 =	vmin.u32 v9, v62;
	(xrf0) =	vmax.scan.msk.u32 $0xffff, v1;
	v1 =	vadd.s32 v23, v17;
	v23 =	vld [tilespmem:$0x1FFE0]  }
0x11f: {  	vm6 =	veq.s32 v31, $0x0;
	v50 =	vsel vm4, $0x1, v2;
	v16 =	vmin.u32 v55, v24  }
0x120: {  	v24 =	vmul.u32 v57, v57;
	vm0 =	vmand vm15, vm14;
	vm4 =	veq.s32 v63, $0x6  }
0x121: {  	v29 =	vshll.u32 v0, $0x7;
	v11 =	vsel vm0, v3, v11;
	v3 =	vsel vm14, v3, v13  }
0x122: {  	vm5 =	vlt.s32 v22, $0x100000;
	vm2 =	vgt.s32 v0, $0xFFFFFFFF;
	v3 =	vadd.s32 v3, v29;
	v61, _, _ =	vpop (xrf0);
	(xrf0) =	vmax.scan.msk.u32 $0xffff, v27  }
0x123: {  	v34 =	vsub.s32 v49, v22;
	v12 =	vsub.s32 v59, v20;
	v0 =	vxor.u32 $0x80000000, v3  }
0x124: {  	v19 =	vadd.s32 v50, v19;
	v0 =	vnsel vm2, $0x7FFFFFFF, v0;
	v17 =	vxor.u32 $0x80000000, v61  }
0x125: {  	vm13 =	vgt.s32 v16, $0xC;
	v24 =	vnsel vm1, $0x0, v24;
	[tilespmem:$0x1780] =	vst v17;
	v25, _, _ =	vpop (xrf0);
	(xrf0) =	vmax.scan.msk.u32 $0xffff, v0  }
0x126: {  	vm1 =	vmand vm12, vm13;
	v5 =	vadd.s32 v24, v5;
	v26 =	vxor.u32 $0x80000000, v25;
	v24 =	vld.idx.msk [tilespmem:v23+s12+$0x0], $0xffff  }
0x127: {  	v28 =	vsel vm4, $0x1, v2;
	vm11 =	vlt.s32 v20, $0x100000;
	vm1 =	vmand vm14, vm1;
	[tilespmem:$0x1780] =	vst v26  }
0x128: {  	v3 =	vadd.s32 $0xFFFFFFFF, v4;
	v6 =	vnsel vm11, $0x0, v6;
	v52 =	vnsel vm11, $0x0, v12;
	v35, _, _ =	vpop (xrf0);
	v30 =	vld.idx.msk [tilespmem:v23+s12+$0x0], $0xffff;
	[tilespmem:$0x1780] =	vst v47  }
0x129: {  	v60 =	vsel vm1, $0x1, v2;
	v1 =	vadd.s32 v28, v1;
	v9 =	vxor.u32 $0x80000000, v35;
	v33 =	vld.idx.msk [tilespmem:v23+s12+$0x0], $0xffff  }
0x12a: {  	v41 =	vld [tilespmem:$0x1FFC0];
	v3 =	vnsel vm5, $0x0, v3;
	v16 =	vadd.s32 v60, v19;
	v0 =	vnsel vm5, $0x0, v34;
	[tilespmem:$0x1780] =	vst v9  }
0x12b: {  	v3 =	vadd.s32 v3, v6;
	v0 =	vadd.s32 v0, v52;
	v42 =	vld.idx.msk [tilespmem:v23+s12+$0x0], $0xffff;
	v45, _, _ =	vpop (xrf0);
	v32 =	vsel vm6, $0xFFFFFFFF, v24  }
0x12c: {  	v46 =	vxor.u32 $0x80000000, v45;
	vm7 =	vgt.s32 v32, $0xFFFFFFFF;
	v4 =	vsub.s32 v22, v32  }
0x12d: {  	v13 =	vsel vm6, $0xFFFFFFFF, v30;
	vm1 =	vmand vm5, vm7;
	v37 =	vmul.u32 v4, v4  }
0x12e: {  	v38 =	vand.u32 $0x7F, v13;
	v8 =	vsel vm6, $0x64, v33;
	v39 =	vor.u32 v51, v13  }
0x12f: {  	v36 =	vsel vm1, $0x1, v2;
	v4 =	vnsel vm1, $0x0, v4;
	v18 =	vsub.s32 v51, v38  }
0x130: {  	v8 =	vsub.s32 v8, v41;
	vm8 =	vgt.s32 v39, $0xFFFFFFFF;
	v50 =	vsel vm6, $0xFFFFFFFF, v42  }
0x131: {  	[tilespmem:$0x1780] =	vst v46;
	v17 =	vnsel vm1, $0x0, v37;
	v40 =	vsub.s32 $0x0, v18;
	v44 =	vsub.s32 $0x0, v8  }
0x132: {  	v49 =	vld.idx.msk [tilespmem:v23+s12+$0x0], $0xffff;
	[tilespmem:$0x1780] =	vst v58;
	vm12 =	vgt.s32 v50, $0xFFFFFFFF;
	v3 =	vadd.s32 v36, v3;
	v10 =	vsub.s32 v20, v50  }
0x133: {  	v51 =	vld.idx.msk [tilespmem:v23+s12+$0x0], $0xffff;
	v0 =	vadd.s32 v4, v0;
	v43 =	vmin.u32 v18, v40;
	v8 =	vmin.u32 v8, v44  }
0x134: {  	v59 =	vld [tilespmem:$0x1FFB0];
	v5 =	vadd.s32 v17, v5;
	vm2 =	vmand vm11, vm12;
	v56 =	vmul.u32 v10, v10  }
0x135: {  	vm9 =	vgt.s32 v43, $0xC;
	vm10 =	veq.s32 v8, $0x6;
	v53 =	vsel vm2, $0x1, v2  }
0x136: {  	v54 =	vnsel vm2, $0x0, v10;
	vm1 =	vmand vm8, vm9;
	v48 =	vsel vm10, $0x1, v2  }
0x137: {  	v3 =	vadd.s32 v53, v3;
	v55 =	vsel vm6, $0xFFFFFFFF, v49;
	v0 =	vadd.s32 v54, v0  }
0x138: {  	v7 =	vnsel vm2, $0x0, v56;
	v57 =	vand.u32 $0x7F, v55;
	v9 =	vsel vm6, $0x64, v51  }
0x139: {  	v47 =	vsel vm1, $0x1, v2;
	v58 =	vsub.s32 v11, v57;
	v9 =	vsub.s32 v9, v59  }
0x13a: {  	v1 =	vadd.s32 v48, v1;
	v60 =	vsub.s32 $0x0, v58;
	v61 =	vsub.s32 $0x0, v9  }
0x13b: {  	v4 =	vor.u32 v11, v55;
	v6 =	vmin.u32 v58, v60;
	v9 =	vmin.u32 v9, v61  }
0x13c: {  	[tilespmem:$0x1380] =	vst v3;
	vm13 =	vgt.s32 v4, $0xFFFFFFFF;
	vm14 =	vgt.s32 v6, $0xC;
	vm15 =	veq.s32 v9, $0x6  }
0x13d: {  	v3 =	vadd.s32 v7, v5;
	[tilespmem:$0x1400] =	vst v0;
	vm0 =	vmand vm13, vm14;
	v62 =	vsel vm15, $0x1, v2  }
0x13e: {  	s15 =	sadd.s32 $0x1, s15;
	v0 =	vadd.s32 v47, v16;
	[tilespmem:$0x1480] =	vst v3;
	v63 =	vsel vm0, $0x1, v2;
	v1 =	vadd.s32 v62, v1  }
0x13f: {  	p0 =	sne.s32 s15, s7;
	v0 =	vadd.s32 v63, v0;
	[tilespmem:$0x1500] =	vst v1  }
.Ltmp1:
0x140: {  	[tilespmem:$0x1580] =	vst v0;
	(pc) =	sbr.rel @p0 .LBB2_1-.Ltmp1, $4  }
0x141: {  	[hbm4b:s6+s2] =	stream.linear.scatter [tilespmem:s13], [sflag:$0x2], $0x280, $0x38;
	[tilespmem:$0x1800] =	vst v63  }
0x142: {  	_ =	swait.ge [sflag:s14], $0x280  }
0x143: {  	[sflag:s14] =	ssyncset.done $0x0  }
0x144: {  	v1 =	vld [tilespmem:$0x1FFF0];
	[sflag:s14] =	ssyncadd.s32 $0xFFFFFD80  }
0x145: {  	_ =	sfence.sel $0x180000  }
0x146: {  	[bflag:$0x0] =	sbarrier.arrive $0xFFFF  }
0x147: {  	p0 =	sne.s32 s0, $0x0;
	_ =	strace $0x90000047  }
0x148: {  	s0 =	sadd.s32 @!p0 $0x100000, s1;
	[bflag:$0x2] =	sbarrier.arrive $0xFFFF  }
0x149: {  	[sflag:s0] =	ssyncadd.tile.s32 @!p0 $0x1;
	_ =	shalt  }
.Lfunc_end2:
_tile_overlayer_lowered:
.L_overlay_start_2:
0x14a: {  	(tag) =	ssettag $0x2  }
0x14b: {  	s0 =	rddreg [dreg:$0x0];
	s2 =	stileid.u32  }
0x14c: {  	s1 =	rddreg [dreg:$0x1];
	p0 =	sne.s32 s2, $0x0  }
0x14d: {  	s3 =	rddreg [dreg:$0x2];
	[bflag:$0x3] =	sbarrier.arrive $0xFFFF;
	s2 =	simm.s32 @!p0 $0x1C02  }
0x14e: {  	[timem:s3], [sflag:s2] =	dma.local @!p0 [hbm:s0], s1  }
0x14f: {  	s0 =	simm.s32 @!p0 $0x2  }
0x150: {  	_ =	swait.ge @!p0 [sflag:s0], s1  }
0x151: {  	s1 =	ssub.s32 @!p0 $0x0, s1;
	[sflag:s0] =	ssyncset.done @!p0 $0x0  }
0x152: {  	[sflag:s0] =	ssyncadd.s32 @!p0 s1  }
0x153: {  	[bflag:$0x3] =	sbarrier.arrive $0xFFFF  }
0x154: {  	_ =	shalt  }

</sc_bundles>
